<compile_context>
chip_gen: v7x
topology: tpu7x:2x2x1
jax: 0.10.2.dev20260603
libtpu: 0.0.44.dev20260713+nightly
codegen_flags: <defaults>
</compile_context>

<pallas_src>
import functools

import jax
import jax.numpy as jnp
from jax import lax
from jax.experimental import pallas as pl
from jax.experimental.pallas import tpu as pltpu
from jax.experimental.pallas import tpu_sc as plsc

NW = 32
NTILE = 16
CHUNK = 128

_mesh = lambda: plsc.VectorSubcoreMesh(core_axis_name="c", subcore_axis_name="s")
_SC_PARAMS = pltpu.CompilerParams(needs_layout_passes=False)


def _rowsum_call(row_p, adj_p, zeros1, n_pad, epw):
    nchunk = epw // CHUNK
    rows_per_tile = n_pad // NTILE

    @functools.partial(
        pl.kernel,
        mesh=_mesh(),
        out_type=jax.ShapeDtypeStruct((2, n_pad), jnp.float32),
        compiler_params=_SC_PARAMS,
        scratch_types=[
            pltpu.VMEM((1, CHUNK), jnp.int32),
            pltpu.VMEM((CHUNK,), jnp.float32),
            pltpu.VMEM_SHARED((n_pad,), jnp.float32),
        ],
    )
    def rowsum_k(row_hbm, adj_hbm, zeros_hbm, rs_out, idx_v, adj_v, rs_sh):
        c = lax.axis_index("c")
        s = lax.axis_index("s")
        wid = s * 2 + c
        base0 = wid * epw
        tslice = pl.ds(s * rows_per_tile, rows_per_tile)
        pltpu.sync_copy(zeros_hbm.at[tslice], rs_sh.at[tslice])
        plsc.subcore_barrier()

        def body(i, carry):
            base = base0 + i * CHUNK
            pltpu.sync_copy(row_hbm.at[pl.ds(base, CHUNK)], idx_v.at[0])
            pltpu.sync_copy(adj_hbm.at[pl.ds(base, CHUNK)], adj_v)
            pltpu.sync_copy(adj_v, rs_sh.at[idx_v.at[0]], add=True)
            return carry

        lax.fori_loop(0, nchunk, body, 0)
        plsc.subcore_barrier()
        pltpu.sync_copy(rs_sh.at[tslice], rs_out.at[c, tslice])

    return rowsum_k(row_p, adj_p, zeros1)


def _matmul_scale_call(x_p, W, rs_parts, n_pad, d_in, d_out):
    bm = 256
    grid = n_pad // bm

    def body(x_ref, w_ref, rs_ref, y_ref):
        rs = rs_ref[0, :] + rs_ref[1, :]
        xw = jnp.dot(x_ref[...], w_ref[...], preferred_element_type=jnp.float32)
        y_ref[...] = xw * (1.0 / rs)[:, None]

    return pl.pallas_call(
        body,
        grid=(grid,),
        in_specs=[
            pl.BlockSpec((bm, d_in), lambda i: (i, 0)),
            pl.BlockSpec((d_in, d_out), lambda i: (0, 0)),
            pl.BlockSpec((2, bm), lambda i: (0, i)),
        ],
        out_specs=pl.BlockSpec((bm, d_out), lambda i: (i, 0)),
        out_shape=jax.ShapeDtypeStruct((n_pad, d_out), jnp.float32),
    )(x_p, W, rs_parts)


def _spmm_call(y, col_p, row_p, adj_p, zeros2, n_pad, d_out, epw):
    nchunk = epw // CHUNK
    rows_per_tile = n_pad // NTILE
    nvec = d_out // 16

    @functools.partial(
        pl.kernel,
        mesh=_mesh(),
        out_type=jax.ShapeDtypeStruct((2, n_pad, d_out), jnp.float32),
        compiler_params=_SC_PARAMS,
        scratch_types=[
            pltpu.VMEM((CHUNK,), jnp.int32),
            pltpu.VMEM((1, CHUNK), jnp.int32),
            pltpu.VMEM((CHUNK,), jnp.float32),
            pltpu.VMEM((CHUNK, d_out), jnp.float32),
            pltpu.VMEM_SHARED((n_pad, d_out), jnp.float32),
            pltpu.SemaphoreType.DMA,
        ],
    )
    def spmm_k(y_hbm, col_hbm, row_hbm, adj_hbm, zeros_hbm, out_hbm,
               colv, rowv, adjv, rows, acc, sem):
        c = lax.axis_index("c")
        s = lax.axis_index("s")
        wid = s * 2 + c
        base0 = wid * epw
        tslice = pl.ds(s * rows_per_tile, rows_per_tile)
        pltpu.sync_copy(zeros_hbm.at[tslice], acc.at[tslice])
        plsc.subcore_barrier()

        def chunk_body(i, carry):
            base = base0 + i * CHUNK
            pltpu.sync_copy(col_hbm.at[pl.ds(base, CHUNK)], colv)
            pltpu.sync_copy(row_hbm.at[pl.ds(base, CHUNK)], rowv.at[0])
            pltpu.sync_copy(adj_hbm.at[pl.ds(base, CHUNK)], adjv)
            pltpu.async_copy(y_hbm.at[colv], rows, sem).wait()

            def scale_body(e, carry2):
                coef = plsc.load_gather(adjv, [jnp.full((16,), e, jnp.int32)])
                for d in range(nvec):
                    sl = pl.ds(d * 16, 16)
                    rows[e, sl] = rows[e, sl] * coef
                return carry2

            lax.fori_loop(0, CHUNK, scale_body, 0)
            pltpu.sync_copy(rows, acc.at[rowv.at[0]], add=True)
            return carry

        lax.fori_loop(0, nchunk, chunk_body, 0)
        plsc.subcore_barrier()
        pltpu.sync_copy(acc.at[tslice], out_hbm.at[c, tslice])

    return spmm_k(y, col_p, row_p, adj_p, zeros2)


def _combine_call(parts, bias2d, n_nodes, d_out):
    bm = 400
    grid = n_nodes // bm

    def body(p_ref, b_ref, o_ref):
        o_ref[...] = p_ref[0] + p_ref[1] + b_ref[...]

    return pl.pallas_call(
        body,
        grid=(grid,),
        in_specs=[
            pl.BlockSpec((2, bm, d_out), lambda i: (0, i, 0)),
            pl.BlockSpec((1, d_out), lambda i: (0, 0)),
        ],
        out_specs=pl.BlockSpec((bm, d_out), lambda i: (i, 0)),
        out_shape=jax.ShapeDtypeStruct((n_nodes, d_out), jnp.float32),
    )(parts, bias2d)


def kernel(layer_in, edge_index, adj_values, W, bias):
    n_nodes, d_in = layer_in.shape
    d_out = W.shape[1]
    n_edges = adj_values.shape[0]

    epw = -(-n_edges // (NW * CHUNK)) * CHUNK
    e_pad = epw * NW - n_edges
    n_pad = -(-n_nodes // 1024) * 1024

    row = edge_index[0]
    col = edge_index[1]
    row_p = jnp.concatenate([row, jnp.full((e_pad,), n_nodes, jnp.int32)])
    col_p = jnp.concatenate([col, jnp.zeros((e_pad,), jnp.int32)])
    adj_p = jnp.concatenate([adj_values, jnp.zeros((e_pad,), jnp.float32)])
    x_p = jnp.pad(layer_in, ((0, n_pad - n_nodes), (0, 0)))
    zeros1 = jnp.zeros((n_pad,), jnp.float32)
    zeros2 = jnp.zeros((n_pad, d_out), jnp.float32)

    rs_parts = _rowsum_call(row_p, adj_p, zeros1, n_pad, epw)
    y = _matmul_scale_call(x_p, W, rs_parts, n_pad, d_in, d_out)
    parts = _spmm_call(y, col_p, row_p, adj_p, zeros2, n_pad, d_out, epw)
    out = _combine_call(parts, bias.reshape(1, d_out), n_nodes, d_out)
    return out

# --- scband reference (transcript-rebuilt; emitter-appended) ---
"""Pipeline reference for scband-gcn-layer-19155554140406 (READ-ONLY COPY).

The authoritative reference and input builder live on the scoring server;
editing this copy changes nothing except your own understanding.
"""

import jax, jax.numpy as jnp
import numpy as np

N_NODES = 10000
N_EDGES = 320000
D_IN = 128
D_OUT = 128


def setup_inputs(seed: int = 0) -> dict:
    key = jax.random.key(seed)
    k1, k2, k3, k4, k5 = jax.random.split(key, 5)
    layer_in = jax.random.normal(k1, (N_NODES, D_IN), dtype=jnp.float32)
    edge_index = jax.random.randint(k2, (2, N_EDGES), 0, N_NODES, dtype=jnp.int32)
    adj_values = jax.random.uniform(k3, (N_EDGES,), dtype=jnp.float32)
    stdv = 1.0 / (D_OUT ** 0.5)
    W = jax.random.uniform(k4, (D_IN, D_OUT), dtype=jnp.float32, minval=-stdv, maxval=stdv)
    bias = jax.random.uniform(k5, (D_OUT,), dtype=jnp.float32, minval=-stdv, maxval=stdv)
    return {"layer_in": layer_in, "edge_index": edge_index, "adj_values": adj_values, "W": W, "bias": bias}


def reference(layer_in, edge_index, adj_values, W, bias):
    # Faithful translation of GCN_Layer.forward with norm=True.
    # Torch: D_hat = diag(rowsum(adj)^(-1/2)); adj = (adj @ D_hat) @ D_hat
    #   => adj_norm[i, j] = adj[i, j] / rowsum(adj)[j]  (column j scaled twice by rowsum_j^(-1/2))
    # then out = adj_norm @ (layer_in @ W) + bias
    row = edge_index[0]
    col = edge_index[1]
    rowsum = jax.ops.segment_sum(adj_values, row, num_segments=N_NODES)
    # column scaling by rowsum[col]^(-1/2) applied twice
    d_inv_sqrt = rowsum ** (-0.5)
    val_norm = adj_values * d_inv_sqrt[col] * d_inv_sqrt[col]
    xw = layer_in @ W  # [N, D_OUT]
    gathered = val_norm[:, None] * jnp.take(xw, col, axis=0)  # [E, D_OUT]
    out = jax.ops.segment_sum(gathered, row, num_segments=N_NODES)  # spmm
    return out + bias

if __name__ == "__main__":
    import jax
    _d = setup_inputs()
    print(jax.jit(kernel)(*tuple(_d.values())))

</pallas_src>

<mosaic_0001>
#map = affine_map<(d0, d1) -> (0, 0)>
#map1 = affine_map<(d0, d1) -> (0)>
#map2 = affine_map<(d0, d1) -> (0, 0, 0)>
module attributes {stable_mosaic.version = 14 : i64} {
  func.func @spmm_k(%arg0: i32, %arg1: i32, %arg2: memref<10240x128xf32, #tpu.memory_space<hbm>>, %arg3: memref<323584xi32, #tpu.memory_space<hbm>>, %arg4: memref<323584xi32, #tpu.memory_space<hbm>>, %arg5: memref<323584xf32, #tpu.memory_space<hbm>>, %arg6: memref<10240x128xf32, #tpu.memory_space<hbm>>, %arg7: memref<2x10240x128xf32, #tpu.memory_space<hbm>>, %arg8: memref<128xi32, #tpu.memory_space<vmem>>, %arg9: memref<1x128xi32, #tpu.memory_space<vmem>>, %arg10: memref<128xf32, #tpu.memory_space<vmem>>, %arg11: memref<128x128xf32, #tpu.memory_space<vmem>>, %arg12: memref<10240x128xf32, #tpu.memory_space<vmem_shared>>, %arg13: memref<!tpu.dma_semaphore, #tpu.memory_space<semaphore_mem>>) attributes {dimension_semantics = [#tpu.dimension_semantics<core_parallel>, #tpu.dimension_semantics<subcore_parallel>], iteration_bounds = array<i64: 2, 16>, scalar_prefetch = 0 : i64, scratch_operands = 6 : i64, tpu.core_type = #tpu.core_type<sc_vector_subcore>, window_params = [{transform_indices = #map}, {transform_indices = #map1}, {transform_indices = #map1}, {transform_indices = #map1}, {transform_indices = #map}, {transform_indices = #map2}]} {
    %mul3A = arith.constant 2 : i32
    %mul3A_0 = arith.muli %arg1, %mul3A : i32
    %add3A = arith.addi %mul3A_0, %arg0 : i32
    %mul3A_1 = arith.constant 10112 : i32
    %mul3A_2 = arith.muli %add3A, %mul3A_1 : i32
    %mul3A_3 = arith.constant 640 : i32
    %mul3A_4 = arith.muli %arg1, %mul3A_3 : i32
    "tpu.region"() ({
      %run_scoped3A = tpu.sem_alloc : memref<!tpu.dma_semaphore, #tpu.memory_space<semaphore_mem>>
      %dma_start3A = arith.constant 0 : i32
      %dma_start3A_11 = tpu.memref_slice %arg12[%mul3A_4, %dma_start3A] : memref<10240x128xf32, #tpu.memory_space<vmem_shared>> -> memref<640x128xf32, #tpu.memory_space<vmem_shared>>
      %dma_start3A_12 = arith.constant 0 : i32
      %dma_start3A_13 = tpu.memref_slice %arg6[%mul3A_4, %dma_start3A_12] : memref<10240x128xf32, #tpu.memory_space<hbm>> -> memref<640x128xf32, #tpu.memory_space<hbm>>
      tpu.enqueue_dma source(%dma_start3A_13 : memref<640x128xf32, #tpu.memory_space<hbm>>) target(%dma_start3A_11 : memref<640x128xf32, #tpu.memory_space<vmem_shared>>) target_semaphore(%run_scoped3A : memref<!tpu.dma_semaphore, #tpu.memory_space<semaphore_mem>>)
      %dma_wait3A = arith.constant 0 : i32
      %dma_wait3A_14 = tpu.memref_slice %arg12[%mul3A_4, %dma_wait3A] : memref<10240x128xf32, #tpu.memory_space<vmem_shared>> -> memref<640x128xf32, #tpu.memory_space<vmem_shared>>
      %dma_wait3A_15 = arith.constant 0 : i32
      %dma_wait3A_16 = tpu.memref_slice %arg6[%mul3A_4, %dma_wait3A_15] : memref<10240x128xf32, #tpu.memory_space<hbm>> -> memref<640x128xf32, #tpu.memory_space<hbm>>
      tpu.wait_dma2 semaphore(%run_scoped3A : memref<!tpu.dma_semaphore, #tpu.memory_space<semaphore_mem>>) src(%dma_wait3A_16 : memref<640x128xf32, #tpu.memory_space<hbm>>) dst(%dma_wait3A_14 : memref<640x128xf32, #tpu.memory_space<vmem_shared>>)
      tpu.yield
    }) : () -> ()
    %barrier3A = arith.constant 0 : index
    tpu.barrier barrier_id(%barrier3A)
    %scan3A = arith.constant 0 : i32
    %scan3A_5 = arith.constant 0 : i32
    %scan3A_6 = arith.constant 79 : i32
    %scan3A_7 = arith.addi %scan3A_5, %scan3A_6 : i32
    %scan3A_8 = arith.constant 1 : i32
    scf.for %scan3A_11 = %scan3A_5 to %scan3A_7 step %scan3A_8  : i32 {
      %mul3A_12 = arith.constant 128 : i32
      %mul3A_13 = arith.muli %scan3A_11, %mul3A_12 : i32
      %add3A_14 = arith.addi %mul3A_2, %mul3A_13 : i32
      "tpu.region"() ({
        %run_scoped3A_26 = tpu.sem_alloc : memref<!tpu.dma_semaphore, #tpu.memory_space<semaphore_mem>>
        %dma_start3A_27 = tpu.memref_slice %arg3[%add3A_14] : memref<323584xi32, #tpu.memory_space<hbm>> -> memref<128xi32, #tpu.memory_space<hbm>>
        %dma_start3A_28 = tpu.memref_slice %arg3[%add3A_14] : memref<323584xi32, #tpu.memory_space<hbm>> -> memref<128xi32, #tpu.memory_space<hbm>>
        tpu.enqueue_dma source(%dma_start3A_28 : memref<128xi32, #tpu.memory_space<hbm>>) target(%arg8 : memref<128xi32, #tpu.memory_space<vmem>>) target_semaphore(%run_scoped3A_26 : memref<!tpu.dma_semaphore, #tpu.memory_space<semaphore_mem>>)
        %dma_wait3A_29 = tpu.memref_slice %arg3[%add3A_14] : memref<323584xi32, #tpu.memory_space<hbm>> -> memref<128xi32, #tpu.memory_space<hbm>>
        %dma_wait3A_30 = tpu.memref_slice %arg3[%add3A_14] : memref<323584xi32, #tpu.memory_space<hbm>> -> memref<128xi32, #tpu.memory_space<hbm>>
        tpu.wait_dma2 semaphore(%run_scoped3A_26 : memref<!tpu.dma_semaphore, #tpu.memory_space<semaphore_mem>>) src(%dma_wait3A_30 : memref<128xi32, #tpu.memory_space<hbm>>) dst(%arg8 : memref<128xi32, #tpu.memory_space<vmem>>)
        tpu.yield
      }) : () -> ()
      %run_scoped3A = arith.constant 0 : i32
      "tpu.region"() ({
        %run_scoped3A_26 = tpu.sem_alloc : memref<!tpu.dma_semaphore, #tpu.memory_space<semaphore_mem>>
        %dma_start3A_27 = arith.constant 0 : i32
        %dma_start3A_28 = tpu.memref_slice %arg9[%run_scoped3A, %dma_start3A_27] : memref<1x128xi32, #tpu.memory_space<vmem>> -> memref<1x128xi32, #tpu.memory_space<vmem>>
        %dma_start3A_29 = tpu.memref_squeeze %dma_start3A_28 : memref<1x128xi32, #tpu.memory_space<vmem>> -> memref<128xi32, #tpu.memory_space<vmem>>
        %dma_start3A_30 = tpu.memref_slice %arg4[%add3A_14] : memref<323584xi32, #tpu.memory_space<hbm>> -> memref<128xi32, #tpu.memory_space<hbm>>
        %dma_start3A_31 = arith.constant 0 : i32
        %dma_start3A_32 = tpu.memref_slice %arg9[%run_scoped3A, %dma_start3A_31] : memref<1x128xi32, #tpu.memory_space<vmem>> -> memref<1x128xi32, #tpu.memory_space<vmem>>
        %dma_start3A_33 = tpu.memref_squeeze %dma_start3A_32 : memref<1x128xi32, #tpu.memory_space<vmem>> -> memref<128xi32, #tpu.memory_space<vmem>>
        %dma_start3A_34 = tpu.memref_slice %arg4[%add3A_14] : memref<323584xi32, #tpu.memory_space<hbm>> -> memref<128xi32, #tpu.memory_space<hbm>>
        tpu.enqueue_dma source(%dma_start3A_34 : memref<128xi32, #tpu.memory_space<hbm>>) target(%dma_start3A_33 : memref<128xi32, #tpu.memory_space<vmem>>) target_semaphore(%run_scoped3A_26 : memref<!tpu.dma_semaphore, #tpu.memory_space<semaphore_mem>>)
        %dma_wait3A_35 = arith.constant 0 : i32
        %dma_wait3A_36 = tpu.memref_slice %arg9[%run_scoped3A, %dma_wait3A_35] : memref<1x128xi32, #tpu.memory_space<vmem>> -> memref<1x128xi32, #tpu.memory_space<vmem>>
        %dma_wait3A_37 = tpu.memref_squeeze %dma_wait3A_36 : memref<1x128xi32, #tpu.memory_space<vmem>> -> memref<128xi32, #tpu.memory_space<vmem>>
        %dma_wait3A_38 = tpu.memref_slice %arg4[%add3A_14] : memref<323584xi32, #tpu.memory_space<hbm>> -> memref<128xi32, #tpu.memory_space<hbm>>
        %dma_wait3A_39 = arith.constant 0 : i32
        %dma_wait3A_40 = tpu.memref_slice %arg9[%run_scoped3A, %dma_wait3A_39] : memref<1x128xi32, #tpu.memory_space<vmem>> -> memref<1x128xi32, #tpu.memory_space<vmem>>
        %dma_wait3A_41 = tpu.memref_squeeze %dma_wait3A_40 : memref<1x128xi32, #tpu.memory_space<vmem>> -> memref<128xi32, #tpu.memory_space<vmem>>
        %dma_wait3A_42 = tpu.memref_slice %arg4[%add3A_14] : memref<323584xi32, #tpu.memory_space<hbm>> -> memref<128xi32, #tpu.memory_space<hbm>>
        tpu.wait_dma2 semaphore(%run_scoped3A_26 : memref<!tpu.dma_semaphore, #tpu.memory_space<semaphore_mem>>) src(%dma_wait3A_42 : memref<128xi32, #tpu.memory_space<hbm>>) dst(%dma_wait3A_41 : memref<128xi32, #tpu.memory_space<vmem>>)
        tpu.yield
      }) : () -> ()
      "tpu.region"() ({
        %run_scoped3A_26 = tpu.sem_alloc : memref<!tpu.dma_semaphore, #tpu.memory_space<semaphore_mem>>
        %dma_start3A_27 = tpu.memref_slice %arg5[%add3A_14] : memref<323584xf32, #tpu.memory_space<hbm>> -> memref<128xf32, #tpu.memory_space<hbm>>
        %dma_start3A_28 = tpu.memref_slice %arg5[%add3A_14] : memref<323584xf32, #tpu.memory_space<hbm>> -> memref<128xf32, #tpu.memory_space<hbm>>
        tpu.enqueue_dma source(%dma_start3A_28 : memref<128xf32, #tpu.memory_space<hbm>>) target(%arg10 : memref<128xf32, #tpu.memory_space<vmem>>) target_semaphore(%run_scoped3A_26 : memref<!tpu.dma_semaphore, #tpu.memory_space<semaphore_mem>>)
        %dma_wait3A_29 = tpu.memref_slice %arg5[%add3A_14] : memref<323584xf32, #tpu.memory_space<hbm>> -> memref<128xf32, #tpu.memory_space<hbm>>
        %dma_wait3A_30 = tpu.memref_slice %arg5[%add3A_14] : memref<323584xf32, #tpu.memory_space<hbm>> -> memref<128xf32, #tpu.memory_space<hbm>>
        tpu.wait_dma2 semaphore(%run_scoped3A_26 : memref<!tpu.dma_semaphore, #tpu.memory_space<semaphore_mem>>) src(%dma_wait3A_30 : memref<128xf32, #tpu.memory_space<hbm>>) dst(%arg10 : memref<128xf32, #tpu.memory_space<vmem>>)
        tpu.yield
      }) : () -> ()
      %dma_start3A = arith.constant 0 : i32
      %dma_start3A_15 = arith.constant 0 : i32
      %dma_start3A_16 = tpu.memref_slice %arg2[%dma_start3A, %dma_start3A_15] : memref<10240x128xf32, #tpu.memory_space<hbm>> -> memref<10240x128xf32, #tpu.memory_space<hbm>>
      tpu.enqueue_indirect_dma source(%dma_start3A_16 : memref<10240x128xf32, #tpu.memory_space<hbm>>) target(%arg11 : memref<128x128xf32, #tpu.memory_space<vmem>>) offsets(%arg8 : memref<128xi32, #tpu.memory_space<vmem>>) semaphore(%arg13 : memref<!tpu.dma_semaphore, #tpu.memory_space<semaphore_mem>>)
      %dma_wait3A = arith.constant 0 : i32
      %dma_wait3A_17 = arith.constant 0 : i32
      %dma_wait3A_18 = tpu.memref_slice %arg2[%dma_wait3A, %dma_wait3A_17] : memref<10240x128xf32, #tpu.memory_space<hbm>> -> memref<10240x128xf32, #tpu.memory_space<hbm>>
      tpu.wait_indirect_dma semaphore(%arg13 : memref<!tpu.dma_semaphore, #tpu.memory_space<semaphore_mem>>) src(%dma_wait3A_18 : memref<10240x128xf32, #tpu.memory_space<hbm>>) dst(%arg11 : memref<128x128xf32, #tpu.memory_space<vmem>>)
      %scan3A_19 = arith.constant 0 : i32
      %scan3A_20 = arith.constant 0 : i32
      %scan3A_21 = arith.constant 128 : i32
      %scan3A_22 = arith.addi %scan3A_20, %scan3A_21 : i32
      %scan3A_23 = arith.constant 1 : i32
      scf.for %scan3A_26 = %scan3A_20 to %scan3A_22 step %scan3A_23  : i32 {
        %broadcast_in_dim3A = vector.broadcast %scan3A_26 : i32 to vector<16xi32>
        %gather3A = tpu.vector_load_idx %arg10[%broadcast_in_dim3A] : memref<128xf32, #tpu.memory_space<vmem>>[vector<16xi32>], vector<16xf32>,
        %get3A = arith.index_cast %scan3A_26 : i32 to index
        %get3A_27 = arith.constant 0 : index
        %get3A_28 = tpu.vector_load %arg11[%get3A, %get3A_27] {strides = array<i32>} : memref<128x128xf32, #tpu.memory_space<vmem>>, vector<16xf32>,
        %mul3A_29 = arith.mulf %get3A_28, %gather3A : vector<16xf32>
        %swap3A = arith.index_cast %scan3A_26 : i32 to index
        %swap3A_30 = arith.constant 0 : index
        %swap3A_31 = tpu.vector_load %arg11[%swap3A, %swap3A_30] {strides = array<i32>} : memref<128x128xf32, #tpu.memory_space<vmem>>, vector<16xf32>,
        tpu.vector_store %arg11[%swap3A, %swap3A_30], %mul3A_29 {strides = array<i32>} : memref<128x128xf32, #tpu.memory_space<vmem>>, vector<16xf32>,
        %get3A_32 = arith.index_cast %scan3A_26 : i32 to index
        %get3A_33 = arith.constant 16 : index
        %get3A_34 = tpu.vector_load %arg11[%get3A_32, %get3A_33] {strides = array<i32>} : memref<128x128xf32, #tpu.memory_space<vmem>>, vector<16xf32>,
        %mul3A_35 = arith.mulf %get3A_34, %gather3A : vector<16xf32>
        %swap3A_36 = arith.index_cast %scan3A_26 : i32 to index
        %swap3A_37 = arith.constant 16 : index
        %swap3A_38 = tpu.vector_load %arg11[%swap3A_36, %swap3A_37] {strides = array<i32>} : memref<128x128xf32, #tpu.memory_space<vmem>>, vector<16xf32>,
        tpu.vector_store %arg11[%swap3A_36, %swap3A_37], %mul3A_35 {strides = array<i32>} : memref<128x128xf32, #tpu.memory_space<vmem>>, vector<16xf32>,
        %get3A_39 = arith.index_cast %scan3A_26 : i32 to index
        %get3A_40 = arith.constant 32 : index
        %get3A_41 = tpu.vector_load %arg11[%get3A_39, %get3A_40] {strides = array<i32>} : memref<128x128xf32, #tpu.memory_space<vmem>>, vector<16xf32>,
        %mul3A_42 = arith.mulf %get3A_41, %gather3A : vector<16xf32>
        %swap3A_43 = arith.index_cast %scan3A_26 : i32 to index
        %swap3A_44 = arith.constant 32 : index
        %swap3A_45 = tpu.vector_load %arg11[%swap3A_43, %swap3A_44] {strides = array<i32>} : memref<128x128xf32, #tpu.memory_space<vmem>>, vector<16xf32>,
        tpu.vector_store %arg11[%swap3A_43, %swap3A_44], %mul3A_42 {strides = array<i32>} : memref<128x128xf32, #tpu.memory_space<vmem>>, vector<16xf32>,
        %get3A_46 = arith.index_cast %scan3A_26 : i32 to index
        %get3A_47 = arith.constant 48 : index
        %get3A_48 = tpu.vector_load %arg11[%get3A_46, %get3A_47] {strides = array<i32>} : memref<128x128xf32, #tpu.memory_space<vmem>>, vector<16xf32>,
        %mul3A_49 = arith.mulf %get3A_48, %gather3A : vector<16xf32>
        %swap3A_50 = arith.index_cast %scan3A_26 : i32 to index
        %swap3A_51 = arith.constant 48 : index
        %swap3A_52 = tpu.vector_load %arg11[%swap3A_50, %swap3A_51] {strides = array<i32>} : memref<128x128xf32, #tpu.memory_space<vmem>>, vector<16xf32>,
        tpu.vector_store %arg11[%swap3A_50, %swap3A_51], %mul3A_49 {strides = array<i32>} : memref<128x128xf32, #tpu.memory_space<vmem>>, vector<16xf32>,
        %get3A_53 = arith.index_cast %scan3A_26 : i32 to index
        %get3A_54 = arith.constant 64 : index
        %get3A_55 = tpu.vector_load %arg11[%get3A_53, %get3A_54] {strides = array<i32>} : memref<128x128xf32, #tpu.memory_space<vmem>>, vector<16xf32>,
        %mul3A_56 = arith.mulf %get3A_55, %gather3A : vector<16xf32>
        %swap3A_57 = arith.index_cast %scan3A_26 : i32 to index
        %swap3A_58 = arith.constant 64 : index
        %swap3A_59 = tpu.vector_load %arg11[%swap3A_57, %swap3A_58] {strides = array<i32>} : memref<128x128xf32, #tpu.memory_space<vmem>>, vector<16xf32>,
        tpu.vector_store %arg11[%swap3A_57, %swap3A_58], %mul3A_56 {strides = array<i32>} : memref<128x128xf32, #tpu.memory_space<vmem>>, vector<16xf32>,
        %get3A_60 = arith.index_cast %scan3A_26 : i32 to index
        %get3A_61 = arith.constant 80 : index
        %get3A_62 = tpu.vector_load %arg11[%get3A_60, %get3A_61] {strides = array<i32>} : memref<128x128xf32, #tpu.memory_space<vmem>>, vector<16xf32>,
        %mul3A_63 = arith.mulf %get3A_62, %gather3A : vector<16xf32>
        %swap3A_64 = arith.index_cast %scan3A_26 : i32 to index
        %swap3A_65 = arith.constant 80 : index
        %swap3A_66 = tpu.vector_load %arg11[%swap3A_64, %swap3A_65] {strides = array<i32>} : memref<128x128xf32, #tpu.memory_space<vmem>>, vector<16xf32>,
        tpu.vector_store %arg11[%swap3A_64, %swap3A_65], %mul3A_63 {strides = array<i32>} : memref<128x128xf32, #tpu.memory_space<vmem>>, vector<16xf32>,
        %get3A_67 = arith.index_cast %scan3A_26 : i32 to index
        %get3A_68 = arith.constant 96 : index
        %get3A_69 = tpu.vector_load %arg11[%get3A_67, %get3A_68] {strides = array<i32>} : memref<128x128xf32, #tpu.memory_space<vmem>>, vector<16xf32>,
        %mul3A_70 = arith.mulf %get3A_69, %gather3A : vector<16xf32>
        %swap3A_71 = arith.index_cast %scan3A_26 : i32 to index
        %swap3A_72 = arith.constant 96 : index
        %swap3A_73 = tpu.vector_load %arg11[%swap3A_71, %swap3A_72] {strides = array<i32>} : memref<128x128xf32, #tpu.memory_space<vmem>>, vector<16xf32>,
        tpu.vector_store %arg11[%swap3A_71, %swap3A_72], %mul3A_70 {strides = array<i32>} : memref<128x128xf32, #tpu.memory_space<vmem>>, vector<16xf32>,
        %get3A_74 = arith.index_cast %scan3A_26 : i32 to index
        %get3A_75 = arith.constant 112 : index
        %get3A_76 = tpu.vector_load %arg11[%get3A_74, %get3A_75] {strides = array<i32>} : memref<128x128xf32, #tpu.memory_space<vmem>>, vector<16xf32>,
        %mul3A_77 = arith.mulf %get3A_76, %gather3A : vector<16xf32>
        %swap3A_78 = arith.index_cast %scan3A_26 : i32 to index
        %swap3A_79 = arith.constant 112 : index
        %swap3A_80 = tpu.vector_load %arg11[%swap3A_78, %swap3A_79] {strides = array<i32>} : memref<128x128xf32, #tpu.memory_space<vmem>>, vector<16xf32>,
        tpu.vector_store %arg11[%swap3A_78, %swap3A_79], %mul3A_77 {strides = array<i32>} : memref<128x128xf32, #tpu.memory_space<vmem>>, vector<16xf32>,
      }
      %scan3A_24 = arith.constant 128 : i32
      %run_scoped3A_25 = arith.constant 0 : i32
      "tpu.region"() ({
        %run_scoped3A_26 = tpu.sem_alloc : memref<!tpu.dma_semaphore, #tpu.memory_space<semaphore_mem>>
        %dma_start3A_27 = arith.constant 0 : i32
        %dma_start3A_28 = tpu.memref_slice %arg9[%run_scoped3A_25, %dma_start3A_27] : memref<1x128xi32, #tpu.memory_space<vmem>> -> memref<1x128xi32, #tpu.memory_space<vmem>>
        %dma_start3A_29 = tpu.memref_squeeze %dma_start3A_28 : memref<1x128xi32, #tpu.memory_space<vmem>> -> memref<128xi32, #tpu.memory_space<vmem>>
        %dma_start3A_30 = arith.constant 0 : i32
        %dma_start3A_31 = arith.constant 0 : i32
        %dma_start3A_32 = tpu.memref_slice %arg12[%dma_start3A_30, %dma_start3A_31] : memref<10240x128xf32, #tpu.memory_space<vmem_shared>> -> memref<10240x128xf32, #tpu.memory_space<vmem_shared>>
        tpu.enqueue_indirect_dma source(%arg11 : memref<128x128xf32, #tpu.memory_space<vmem>>) target(%dma_start3A_32 : memref<10240x128xf32, #tpu.memory_space<vmem_shared>>) offsets(%dma_start3A_29 : memref<128xi32, #tpu.memory_space<vmem>>) semaphore(%run_scoped3A_26 : memref<!tpu.dma_semaphore, #tpu.memory_space<semaphore_mem>>) {add = true}
        %dma_wait3A_33 = arith.constant 0 : i32
        %dma_wait3A_34 = tpu.memref_slice %arg9[%run_scoped3A_25, %dma_wait3A_33] : memref<1x128xi32, #tpu.memory_space<vmem>> -> memref<1x128xi32, #tpu.memory_space<vmem>>
        %dma_wait3A_35 = tpu.memref_squeeze %dma_wait3A_34 : memref<1x128xi32, #tpu.memory_space<vmem>> -> memref<128xi32, #tpu.memory_space<vmem>>
        %dma_wait3A_36 = arith.constant 0 : i32
        %dma_wait3A_37 = arith.constant 0 : i32
        %dma_wait3A_38 = tpu.memref_slice %arg12[%dma_wait3A_36, %dma_wait3A_37] : memref<10240x128xf32, #tpu.memory_space<vmem_shared>> -> memref<10240x128xf32, #tpu.memory_space<vmem_shared>>
        tpu.wait_indirect_dma semaphore(%run_scoped3A_26 : memref<!tpu.dma_semaphore, #tpu.memory_space<semaphore_mem>>) src(%arg11 : memref<128x128xf32, #tpu.memory_space<vmem>>) dst(%dma_wait3A_38 : memref<10240x128xf32, #tpu.memory_space<vmem_shared>>)
        tpu.yield
      }) : () -> ()
    }
    %scan3A_9 = arith.constant 79 : i32
    %barrier3A_10 = arith.constant 0 : index
    tpu.barrier barrier_id(%barrier3A_10)
    "tpu.region"() ({
      %run_scoped3A = tpu.sem_alloc : memref<!tpu.dma_semaphore, #tpu.memory_space<semaphore_mem>>
      %dma_start3A = arith.constant 0 : i32
      %dma_start3A_11 = tpu.memref_slice %arg7[%arg0, %mul3A_4, %dma_start3A] : memref<2x10240x128xf32, #tpu.memory_space<hbm>> -> memref<1x640x128xf32, #tpu.memory_space<hbm>>
      %dma_start3A_12 = tpu.memref_squeeze %dma_start3A_11 : memref<1x640x128xf32, #tpu.memory_space<hbm>> -> memref<640x128xf32, #tpu.memory_space<hbm>>
      %dma_start3A_13 = arith.constant 0 : i32
      %dma_start3A_14 = tpu.memref_slice %arg12[%mul3A_4, %dma_start3A_13] : memref<10240x128xf32, #tpu.memory_space<vmem_shared>> -> memref<640x128xf32, #tpu.memory_space<vmem_shared>>
      tpu.enqueue_dma source(%dma_start3A_14 : memref<640x128xf32, #tpu.memory_space<vmem_shared>>) target(%dma_start3A_12 : memref<640x128xf32, #tpu.memory_space<hbm>>) target_semaphore(%run_scoped3A : memref<!tpu.dma_semaphore, #tpu.memory_space<semaphore_mem>>)
      %dma_wait3A = arith.constant 0 : i32
      %dma_wait3A_15 = tpu.memref_slice %arg7[%arg0, %mul3A_4, %dma_wait3A] : memref<2x10240x128xf32, #tpu.memory_space<hbm>> -> memref<1x640x128xf32, #tpu.memory_space<hbm>>
      %dma_wait3A_16 = tpu.memref_squeeze %dma_wait3A_15 : memref<1x640x128xf32, #tpu.memory_space<hbm>> -> memref<640x128xf32, #tpu.memory_space<hbm>>
      %dma_wait3A_17 = arith.constant 0 : i32
      %dma_wait3A_18 = tpu.memref_slice %arg12[%mul3A_4, %dma_wait3A_17] : memref<10240x128xf32, #tpu.memory_space<vmem_shared>> -> memref<640x128xf32, #tpu.memory_space<vmem_shared>>
      tpu.wait_dma2 semaphore(%run_scoped3A : memref<!tpu.dma_semaphore, #tpu.memory_space<semaphore_mem>>) src(%dma_wait3A_18 : memref<640x128xf32, #tpu.memory_space<vmem_shared>>) dst(%dma_wait3A_16 : memref<640x128xf32, #tpu.memory_space<hbm>>)
      tpu.yield
    }) : () -> ()
    return
  }
}

#map = affine_map<(d0, d1) -> (0)>
#map1 = affine_map<(d0, d1) -> (0, 0)>
module attributes {stable_mosaic.version = 14 : i64} {
  func.func @rowsum_k(%arg0: i32, %arg1: i32, %arg2: memref<323584xi32, #tpu.memory_space<hbm>>, %arg3: memref<323584xf32, #tpu.memory_space<hbm>>, %arg4: memref<10240xf32, #tpu.memory_space<hbm>>, %arg5: memref<2x10240xf32, #tpu.memory_space<hbm>>, %arg6: memref<1x128xi32, #tpu.memory_space<vmem>>, %arg7: memref<128xf32, #tpu.memory_space<vmem>>, %arg8: memref<10240xf32, #tpu.memory_space<vmem_shared>>) attributes {dimension_semantics = [#tpu.dimension_semantics<core_parallel>, #tpu.dimension_semantics<subcore_parallel>], iteration_bounds = array<i64: 2, 16>, scalar_prefetch = 0 : i64, scratch_operands = 3 : i64, tpu.core_type = #tpu.core_type<sc_vector_subcore>, window_params = [{transform_indices = #map}, {transform_indices = #map}, {transform_indices = #map}, {transform_indices = #map1}]} {
    %mul3A = arith.constant 2 : i32
    %mul3A_0 = arith.muli %arg1, %mul3A : i32
    %add3A = arith.addi %mul3A_0, %arg0 : i32
    %mul3A_1 = arith.constant 10112 : i32
    %mul3A_2 = arith.muli %add3A, %mul3A_1 : i32
    %mul3A_3 = arith.constant 640 : i32
    %mul3A_4 = arith.muli %arg1, %mul3A_3 : i32
    "tpu.region"() ({
      %run_scoped3A = tpu.sem_alloc : memref<!tpu.dma_semaphore, #tpu.memory_space<semaphore_mem>>
      %dma_start3A = tpu.memref_slice %arg8[%mul3A_4] : memref<10240xf32, #tpu.memory_space<vmem_shared>> -> memref<640xf32, #tpu.memory_space<vmem_shared>>
      %dma_start3A_11 = tpu.memref_slice %arg4[%mul3A_4] : memref<10240xf32, #tpu.memory_space<hbm>> -> memref<640xf32, #tpu.memory_space<hbm>>
      tpu.enqueue_dma source(%dma_start3A_11 : memref<640xf32, #tpu.memory_space<hbm>>) target(%dma_start3A : memref<640xf32, #tpu.memory_space<vmem_shared>>) target_semaphore(%run_scoped3A : memref<!tpu.dma_semaphore, #tpu.memory_space<semaphore_mem>>)
      %dma_wait3A = tpu.memref_slice %arg8[%mul3A_4] : memref<10240xf32, #tpu.memory_space<vmem_shared>> -> memref<640xf32, #tpu.memory_space<vmem_shared>>
      %dma_wait3A_12 = tpu.memref_slice %arg4[%mul3A_4] : memref<10240xf32, #tpu.memory_space<hbm>> -> memref<640xf32, #tpu.memory_space<hbm>>
      tpu.wait_dma2 semaphore(%run_scoped3A : memref<!tpu.dma_semaphore, #tpu.memory_space<semaphore_mem>>) src(%dma_wait3A_12 : memref<640xf32, #tpu.memory_space<hbm>>) dst(%dma_wait3A : memref<640xf32, #tpu.memory_space<vmem_shared>>)
      tpu.yield
    }) : () -> ()
    %barrier3A = arith.constant 0 : index
    tpu.barrier barrier_id(%barrier3A)
    %scan3A = arith.constant 0 : i32
    %scan3A_5 = arith.constant 0 : i32
    %scan3A_6 = arith.constant 79 : i32
    %scan3A_7 = arith.addi %scan3A_5, %scan3A_6 : i32
    %scan3A_8 = arith.constant 1 : i32
    scf.for %scan3A_11 = %scan3A_5 to %scan3A_7 step %scan3A_8  : i32 {
      %mul3A_12 = arith.constant 128 : i32
      %mul3A_13 = arith.muli %scan3A_11, %mul3A_12 : i32
      %add3A_14 = arith.addi %mul3A_2, %mul3A_13 : i32
      %run_scoped3A = arith.constant 0 : i32
      "tpu.region"() ({
        %run_scoped3A_16 = tpu.sem_alloc : memref<!tpu.dma_semaphore, #tpu.memory_space<semaphore_mem>>
        %dma_start3A = arith.constant 0 : i32
        %dma_start3A_17 = tpu.memref_slice %arg6[%run_scoped3A, %dma_start3A] : memref<1x128xi32, #tpu.memory_space<vmem>> -> memref<1x128xi32, #tpu.memory_space<vmem>>
        %dma_start3A_18 = tpu.memref_squeeze %dma_start3A_17 : memref<1x128xi32, #tpu.memory_space<vmem>> -> memref<128xi32, #tpu.memory_space<vmem>>
        %dma_start3A_19 = tpu.memref_slice %arg2[%add3A_14] : memref<323584xi32, #tpu.memory_space<hbm>> -> memref<128xi32, #tpu.memory_space<hbm>>
        %dma_start3A_20 = arith.constant 0 : i32
        %dma_start3A_21 = tpu.memref_slice %arg6[%run_scoped3A, %dma_start3A_20] : memref<1x128xi32, #tpu.memory_space<vmem>> -> memref<1x128xi32, #tpu.memory_space<vmem>>
        %dma_start3A_22 = tpu.memref_squeeze %dma_start3A_21 : memref<1x128xi32, #tpu.memory_space<vmem>> -> memref<128xi32, #tpu.memory_space<vmem>>
        %dma_start3A_23 = tpu.memref_slice %arg2[%add3A_14] : memref<323584xi32, #tpu.memory_space<hbm>> -> memref<128xi32, #tpu.memory_space<hbm>>
        tpu.enqueue_dma source(%dma_start3A_23 : memref<128xi32, #tpu.memory_space<hbm>>) target(%dma_start3A_22 : memref<128xi32, #tpu.memory_space<vmem>>) target_semaphore(%run_scoped3A_16 : memref<!tpu.dma_semaphore, #tpu.memory_space<semaphore_mem>>)
        %dma_wait3A = arith.constant 0 : i32
        %dma_wait3A_24 = tpu.memref_slice %arg6[%run_scoped3A, %dma_wait3A] : memref<1x128xi32, #tpu.memory_space<vmem>> -> memref<1x128xi32, #tpu.memory_space<vmem>>
        %dma_wait3A_25 = tpu.memref_squeeze %dma_wait3A_24 : memref<1x128xi32, #tpu.memory_space<vmem>> -> memref<128xi32, #tpu.memory_space<vmem>>
        %dma_wait3A_26 = tpu.memref_slice %arg2[%add3A_14] : memref<323584xi32, #tpu.memory_space<hbm>> -> memref<128xi32, #tpu.memory_space<hbm>>
        %dma_wait3A_27 = arith.constant 0 : i32
        %dma_wait3A_28 = tpu.memref_slice %arg6[%run_scoped3A, %dma_wait3A_27] : memref<1x128xi32, #tpu.memory_space<vmem>> -> memref<1x128xi32, #tpu.memory_space<vmem>>
        %dma_wait3A_29 = tpu.memref_squeeze %dma_wait3A_28 : memref<1x128xi32, #tpu.memory_space<vmem>> -> memref<128xi32, #tpu.memory_space<vmem>>
        %dma_wait3A_30 = tpu.memref_slice %arg2[%add3A_14] : memref<323584xi32, #tpu.memory_space<hbm>> -> memref<128xi32, #tpu.memory_space<hbm>>
        tpu.wait_dma2 semaphore(%run_scoped3A_16 : memref<!tpu.dma_semaphore, #tpu.memory_space<semaphore_mem>>) src(%dma_wait3A_30 : memref<128xi32, #tpu.memory_space<hbm>>) dst(%dma_wait3A_29 : memref<128xi32, #tpu.memory_space<vmem>>)
        tpu.yield
      }) : () -> ()
      "tpu.region"() ({
        %run_scoped3A_16 = tpu.sem_alloc : memref<!tpu.dma_semaphore, #tpu.memory_space<semaphore_mem>>
        %dma_start3A = tpu.memref_slice %arg3[%add3A_14] : memref<323584xf32, #tpu.memory_space<hbm>> -> memref<128xf32, #tpu.memory_space<hbm>>
        %dma_start3A_17 = tpu.memref_slice %arg3[%add3A_14] : memref<323584xf32, #tpu.memory_space<hbm>> -> memref<128xf32, #tpu.memory_space<hbm>>
        tpu.enqueue_dma source(%dma_start3A_17 : memref<128xf32, #tpu.memory_space<hbm>>) target(%arg7 : memref<128xf32, #tpu.memory_space<vmem>>) target_semaphore(%run_scoped3A_16 : memref<!tpu.dma_semaphore, #tpu.memory_space<semaphore_mem>>)
        %dma_wait3A = tpu.memref_slice %arg3[%add3A_14] : memref<323584xf32, #tpu.memory_space<hbm>> -> memref<128xf32, #tpu.memory_space<hbm>>
        %dma_wait3A_18 = tpu.memref_slice %arg3[%add3A_14] : memref<323584xf32, #tpu.memory_space<hbm>> -> memref<128xf32, #tpu.memory_space<hbm>>
        tpu.wait_dma2 semaphore(%run_scoped3A_16 : memref<!tpu.dma_semaphore, #tpu.memory_space<semaphore_mem>>) src(%dma_wait3A_18 : memref<128xf32, #tpu.memory_space<hbm>>) dst(%arg7 : memref<128xf32, #tpu.memory_space<vmem>>)
        tpu.yield
      }) : () -> ()
      %run_scoped3A_15 = arith.constant 0 : i32
      "tpu.region"() ({
        %run_scoped3A_16 = tpu.sem_alloc : memref<!tpu.dma_semaphore, #tpu.memory_space<semaphore_mem>>
        %dma_start3A = arith.constant 0 : i32
        %dma_start3A_17 = tpu.memref_slice %arg6[%run_scoped3A_15, %dma_start3A] : memref<1x128xi32, #tpu.memory_space<vmem>> -> memref<1x128xi32, #tpu.memory_space<vmem>>
        %dma_start3A_18 = tpu.memref_squeeze %dma_start3A_17 : memref<1x128xi32, #tpu.memory_space<vmem>> -> memref<128xi32, #tpu.memory_space<vmem>>
        %dma_start3A_19 = arith.constant 0 : i32
        %dma_start3A_20 = tpu.memref_slice %arg8[%dma_start3A_19] : memref<10240xf32, #tpu.memory_space<vmem_shared>> -> memref<10240xf32, #tpu.memory_space<vmem_shared>>
        tpu.enqueue_indirect_dma source(%arg7 : memref<128xf32, #tpu.memory_space<vmem>>) target(%dma_start3A_20 : memref<10240xf32, #tpu.memory_space<vmem_shared>>) offsets(%dma_start3A_18 : memref<128xi32, #tpu.memory_space<vmem>>) semaphore(%run_scoped3A_16 : memref<!tpu.dma_semaphore, #tpu.memory_space<semaphore_mem>>) {add = true}
        %dma_wait3A = arith.constant 0 : i32
        %dma_wait3A_21 = tpu.memref_slice %arg6[%run_scoped3A_15, %dma_wait3A] : memref<1x128xi32, #tpu.memory_space<vmem>> -> memref<1x128xi32, #tpu.memory_space<vmem>>
        %dma_wait3A_22 = tpu.memref_squeeze %dma_wait3A_21 : memref<1x128xi32, #tpu.memory_space<vmem>> -> memref<128xi32, #tpu.memory_space<vmem>>
        %dma_wait3A_23 = arith.constant 0 : i32
        %dma_wait3A_24 = tpu.memref_slice %arg8[%dma_wait3A_23] : memref<10240xf32, #tpu.memory_space<vmem_shared>> -> memref<10240xf32, #tpu.memory_space<vmem_shared>>
        tpu.wait_indirect_dma semaphore(%run_scoped3A_16 : memref<!tpu.dma_semaphore, #tpu.memory_space<semaphore_mem>>) src(%arg7 : memref<128xf32, #tpu.memory_space<vmem>>) dst(%dma_wait3A_24 : memref<10240xf32, #tpu.memory_space<vmem_shared>>)
        tpu.yield
      }) : () -> ()
    }
    %scan3A_9 = arith.constant 79 : i32
    %barrier3A_10 = arith.constant 0 : index
    tpu.barrier barrier_id(%barrier3A_10)
    "tpu.region"() ({
      %run_scoped3A = tpu.sem_alloc : memref<!tpu.dma_semaphore, #tpu.memory_space<semaphore_mem>>
      %dma_start3A = tpu.memref_slice %arg5[%arg0, %mul3A_4] : memref<2x10240xf32, #tpu.memory_space<hbm>> -> memref<1x640xf32, #tpu.memory_space<hbm>>
      %dma_start3A_11 = tpu.memref_squeeze %dma_start3A : memref<1x640xf32, #tpu.memory_space<hbm>> -> memref<640xf32, #tpu.memory_space<hbm>>
      %dma_start3A_12 = tpu.memref_slice %arg8[%mul3A_4] : memref<10240xf32, #tpu.memory_space<vmem_shared>> -> memref<640xf32, #tpu.memory_space<vmem_shared>>
      tpu.enqueue_dma source(%dma_start3A_12 : memref<640xf32, #tpu.memory_space<vmem_shared>>) target(%dma_start3A_11 : memref<640xf32, #tpu.memory_space<hbm>>) target_semaphore(%run_scoped3A : memref<!tpu.dma_semaphore, #tpu.memory_space<semaphore_mem>>)
      %dma_wait3A = tpu.memref_slice %arg5[%arg0, %mul3A_4] : memref<2x10240xf32, #tpu.memory_space<hbm>> -> memref<1x640xf32, #tpu.memory_space<hbm>>
      %dma_wait3A_13 = tpu.memref_squeeze %dma_wait3A : memref<1x640xf32, #tpu.memory_space<hbm>> -> memref<640xf32, #tpu.memory_space<hbm>>
      %dma_wait3A_14 = tpu.memref_slice %arg8[%mul3A_4] : memref<10240xf32, #tpu.memory_space<vmem_shared>> -> memref<640xf32, #tpu.memory_space<vmem_shared>>
      tpu.wait_dma2 semaphore(%run_scoped3A : memref<!tpu.dma_semaphore, #tpu.memory_space<semaphore_mem>>) src(%dma_wait3A_14 : memref<640xf32, #tpu.memory_space<vmem_shared>>) dst(%dma_wait3A_13 : memref<640xf32, #tpu.memory_space<hbm>>)
      tpu.yield
    }) : () -> ()
    return
  }
}

module attributes {stable_mosaic.version = 14 : i64} {
  func.func @body(%arg0: i32, %arg1: memref<256x128xf32, #tpu.memory_space<vmem>>, %arg2: memref<128x128xf32, #tpu.memory_space<vmem>>, %arg3: memref<2x256xf32, #tpu.memory_space<vmem>>, %arg4: memref<256x128xf32, #tpu.memory_space<vmem>>) attributes {dimension_semantics = [#tpu.dimension_semantics<arbitrary>], iteration_bounds = array<i64: 40>, scalar_prefetch = 0 : i64, scratch_operands = 0 : i64, tpu.core_type = #tpu.core_type<tc>, window_params = [{transform_indices = @transform_0, window_bounds = array<i64: 256, 128>}, {pipeline_mode = #tpu.pipeline_mode<synchronous>, transform_indices = @transform_1, window_bounds = array<i64: 128, 128>}, {transform_indices = @transform_2, window_bounds = array<i64: 2, 256>}, {transform_indices = @transform_3, window_bounds = array<i64: 256, 128>}]} {
    %get3A = arith.constant 0 : index
    %get3A_0 = arith.constant 0 : index
    %get3A_1 = vector.load %arg3[%get3A, %get3A_0] : memref<2x256xf32, #tpu.memory_space<vmem>>, vector<1x256xf32>
    %get3A_2 = vector.shape_cast %get3A_1 : vector<1x256xf32> to vector<256xf32>
    %get3A_3 = arith.constant 1 : index
    %get3A_4 = arith.constant 0 : index
    %get3A_5 = vector.load %arg3[%get3A_3, %get3A_4] : memref<2x256xf32, #tpu.memory_space<vmem>>, vector<1x256xf32>
    %get3A_6 = vector.shape_cast %get3A_5 : vector<1x256xf32> to vector<256xf32>
    %add3A = arith.addf %get3A_2, %get3A_6 : vector<256xf32>
    %get3A_7 = arith.constant 0 : index
    %get3A_8 = arith.constant 0 : index
    %get3A_9 = vector.load %arg1[%get3A_7, %get3A_8] : memref<256x128xf32, #tpu.memory_space<vmem>>, vector<256x128xf32>
    %get3A_10 = arith.constant 0 : index
    %get3A_11 = arith.constant 0 : index
    %get3A_12 = vector.load %arg2[%get3A_10, %get3A_11] : memref<128x128xf32, #tpu.memory_space<vmem>>, vector<128x128xf32>
    %dot_general3A = arith.constant dense<0.000000e+00> : vector<256x128xf32>
    %dot_general3A_13 = tpu.matmul %get3A_9, %get3A_12, %dot_general3A {dimension_numbers = #tpu.dot_dimension_numbers<[1], [0], [0], [1], [0, 0, 1, 1], [], []>, transpose_lhs_hint = false} : vector<256x128xf32>, vector<128x128xf32>, vector<256x128xf32> -> vector<256x128xf32>
    %div3A = arith.constant 1.000000e+00 : f32
    %div3A_14 = vector.broadcast %div3A : f32 to vector<256xf32>
    %div3A_15 = arith.divf %div3A_14, %add3A : vector<256xf32>
    %broadcast_in_dim3A = vector.shape_cast %div3A_15 : vector<256xf32> to vector<256x1xf32>
    %mul3A = vector.broadcast %broadcast_in_dim3A : vector<256x1xf32> to vector<256x128xf32>
    %mul3A_16 = arith.mulf %dot_general3A_13, %mul3A : vector<256x128xf32>
    %swap3A = arith.constant 0 : index
    %swap3A_17 = arith.constant 0 : index
    %swap3A_18 = vector.load %arg4[%swap3A, %swap3A_17] : memref<256x128xf32, #tpu.memory_space<vmem>>, vector<256x128xf32>
    tpu.vector_store %arg4[%swap3A, %swap3A_17], %mul3A_16 {strides = array<i32>} : memref<256x128xf32, #tpu.memory_space<vmem>>, vector<256x128xf32>,
    return
  }
  func.func @transform_0(%arg0: i32) -> (i32, i32) {
    %c0_i32 = arith.constant 0 : i32
    %c0_i32_0 = arith.constant 0 : i32
    return %arg0, %c0_i32 : i32, i32
  }
  func.func @transform_1(%arg0: i32) -> (i32, i32) {
    %c0_i32 = arith.constant 0 : i32
    %c0_i32_0 = arith.constant 0 : i32
    %c0_i32_1 = arith.constant 0 : i32
    return %c0_i32, %c0_i32_0 : i32, i32
  }
  func.func @transform_2(%arg0: i32) -> (i32, i32) {
    %c0_i32 = arith.constant 0 : i32
    %c0_i32_0 = arith.constant 0 : i32
    return %c0_i32, %arg0 : i32, i32
  }
  func.func @transform_3(%arg0: i32) -> (i32, i32) {
    %c0_i32 = arith.constant 0 : i32
    %c0_i32_0 = arith.constant 0 : i32
    return %arg0, %c0_i32 : i32, i32
  }
}

module attributes {stable_mosaic.version = 14 : i64} {
  func.func @body(%arg0: i32, %arg1: memref<2x400x128xf32, #tpu.memory_space<vmem>>, %arg2: memref<1x128xf32, #tpu.memory_space<vmem>>, %arg3: memref<400x128xf32, #tpu.memory_space<vmem>>) attributes {dimension_semantics = [#tpu.dimension_semantics<arbitrary>], iteration_bounds = array<i64: 25>, scalar_prefetch = 0 : i64, scratch_operands = 0 : i64, tpu.core_type = #tpu.core_type<tc>, window_params = [{transform_indices = @transform_0, window_bounds = array<i64: 2, 400, 128>}, {pipeline_mode = #tpu.pipeline_mode<synchronous>, transform_indices = @transform_1, window_bounds = array<i64: 1, 128>}, {transform_indices = @transform_2, window_bounds = array<i64: 400, 128>}]} {
    %get3A = arith.constant 0 : index
    %get3A_0 = arith.constant 0 : index
    %get3A_1 = arith.constant 0 : index
    %get3A_2 = vector.load %arg1[%get3A, %get3A_0, %get3A_1] : memref<2x400x128xf32, #tpu.memory_space<vmem>>, vector<1x400x128xf32>
    %get3A_3 = vector.shape_cast %get3A_2 : vector<1x400x128xf32> to vector<400x128xf32>
    %get3A_4 = arith.constant 1 : index
    %get3A_5 = arith.constant 0 : index
    %get3A_6 = arith.constant 0 : index
    %get3A_7 = vector.load %arg1[%get3A_4, %get3A_5, %get3A_6] : memref<2x400x128xf32, #tpu.memory_space<vmem>>, vector<1x400x128xf32>
    %get3A_8 = vector.shape_cast %get3A_7 : vector<1x400x128xf32> to vector<400x128xf32>
    %add3A = arith.addf %get3A_3, %get3A_8 : vector<400x128xf32>
    %get3A_9 = arith.constant 0 : index
    %get3A_10 = arith.constant 0 : index
    %get3A_11 = vector.load %arg2[%get3A_9, %get3A_10] : memref<1x128xf32, #tpu.memory_space<vmem>>, vector<1x128xf32>
    %add3A_12 = vector.broadcast %get3A_11 : vector<1x128xf32> to vector<400x128xf32>
    %add3A_13 = arith.addf %add3A, %add3A_12 : vector<400x128xf32>
    %swap3A = arith.constant 0 : index
    %swap3A_14 = arith.constant 0 : index
    %swap3A_15 = vector.load %arg3[%swap3A, %swap3A_14] : memref<400x128xf32, #tpu.memory_space<vmem>>, vector<400x128xf32>
    tpu.vector_store %arg3[%swap3A, %swap3A_14], %add3A_13 {strides = array<i32>} : memref<400x128xf32, #tpu.memory_space<vmem>>, vector<400x128xf32>,
    return
  }
  func.func @transform_0(%arg0: i32) -> (i32, i32, i32) {
    %c0_i32 = arith.constant 0 : i32
    %c0_i32_0 = arith.constant 0 : i32
    %c0_i32_1 = arith.constant 0 : i32
    return %c0_i32, %arg0, %c0_i32_0 : i32, i32, i32
  }
  func.func @transform_1(%arg0: i32) -> (i32, i32) {
    %c0_i32 = arith.constant 0 : i32
    %c0_i32_0 = arith.constant 0 : i32
    %c0_i32_1 = arith.constant 0 : i32
    return %c0_i32, %c0_i32_0 : i32, i32
  }
  func.func @transform_2(%arg0: i32) -> (i32, i32) {
    %c0_i32 = arith.constant 0 : i32
    %c0_i32_0 = arith.constant 0 : i32
    return %arg0, %c0_i32 : i32, i32
  }
}

</mosaic_0001>

<sc_bundles>
// kernel: kernel.6.cloned.1.call-start
scs
__scs_entry_jumppad:
0x0: {  	(pc) =	sbr.rel $0x88, $3  }
0x1: {  	(tag) =	ssettag $0x0;
	lr =	simm.s32 $0x1  }
0x2: {  	[smem:$0x3F9C] =	sst lr;
	_ =	strace $0xD0000000  }
0x3: {  	_ = 	snop  }
0x4: {  	_ = 	snop  }
0x5: {  	_ = 	snop  }
0x6: {  	_ = 	snop  }
0x7: {  	_ = 	snop  }
__scs_overlays_trampoline_lowered:
0x8: {  	[smem:$0x3FAB] =	sst s0  }
0x9: {  	[smem:$0x3FAC] =	sst s1  }
0xa: {  	[smem:$0x3FAD] =	sst s2  }
0xb: {  	[smem:$0x3FAE] =	sst s3  }
0xc: {  	[smem:$0x3FAF] =	sst s4  }
0xd: {  	[smem:$0x3FB0] =	sst s5  }
0xe: {  	[smem:$0x3FB1] =	sst s6  }
0xf: {  	[smem:$0x3FB2] =	sst s7  }
0x10: {  	[smem:$0x3FB3] =	sst s8  }
0x11: {  	[smem:$0x3FB4] =	sst s9;
	s0 =	simm.s32 @!p0 $0x0  }
0x12: {  	s1 =	sld [smem:$0x3F9A];
	s0 =	simm.s32 @p0 $0x1  }
0x13: {  	[smem:$0x3FB5] =	sst s0;
	s0 =	simm.s32 @!p1 $0x0  }
0x14: {  	s2 =	sld [smem:$0x3F99];
	s0 =	simm.s32 @p1 $0x1  }
0x15: {  	[smem:$0x3FB6] =	sst s0;
	s0 =	simm.s32 @!p2 $0x0  }
0x16: {  	s3 =	sld [smem:$0x3FDB];
	s0 =	simm.s32 @p2 $0x1  }
0x17: {  	s4 =	simm.s32 $0x1BF5;
	[smem:$0x3FB8] =	sst s0  }
0x18: {  	s0 =	sld [smem:$0x3F9B];
	_ =	swait.ge [sflag:s4], $0x0  }
0x19: {  	s7 =	sld [smem:$0x3F9C]  }
0x1a: {  	s8 =	sadd.s32 $0xFFFFE003, lr  }
0x1b: {  	s9 =	sadd.s32 $0xFFFFFEF7, lr;
	s5 =	simm.s32 $0xFFFFFFFF;
	p2 =	slt.u32 s8, $0xFFFFF086  }
0x1c: {  	p1 =	slt.u32 s9, $0xF7A;
	s5 =	simm.s32 @!p2 $0x0  }
0x1d: {  	s5 =	simm.s32 @p1 $0x1;
	p0 =	seq.s32 s7, s2  }
0x1e: {  	s7 =	smul.u32 @!p0 $0xF7A, s2;
	p2 =	seq.s32 @!p0 s5, $0x0  }
0x1f: {  	s9 =	smul.u32 $0xF7A, s1;
	s8 =	simm.s32 @!p0 $0x1BF5;
	p2 =	por !p2, p0  }
0x20: {  	[sflag:s8] =	ssyncset.s32 @!p0 $0xFFFFF086;
	s6 =	sadd.s32 @!p0 s3, s7;
	s7 =	simm.s32 @!p0 $0x108  }
0x21: {  	s3 =	sadd.s32 s3, s9;
	s6 =	sadd.s32 @!p0 $0x88, s6;
	s7 =	simm.s32 @p2 $0x1082  }
0x22: {  	[simem:s7], [sflag:s8] =	dma.local @!p0 [hbm:s6], $0xF7A  }
0x23: {  	s9 =	sor.u32 $0xD0000000, s2;
	s6 =	simm.s32 $0x108;
	_ =	swait.ge @!p0 [sflag:s8], $0x0  }
0x24: {  	s3 =	sadd.s32 $0x88, s3;
	s6 =	simm.s32 @!p1 $0x1082;
	[sflag:s4] =	ssyncset.s32 $0xFFFFF086  }
0x25: {  	[simem:s6], [sflag:s4] =	dma.local [hbm:s3], $0xF7A  }
0x26: {  	[smem:$0x3F9C] =	sst s1;
	(tag) =	ssettag s2;
	_ =	strace s9  }
0x27: {  	s1 =	sld [smem:$0x3FAC]  }
0x28: {  	s2 =	sld [smem:$0x3FAD]  }
0x29: {  	s4 =	sld [smem:$0x3FAF]  }
0x2a: {  	p0 =	seq.s32 s5, $0x0;
	s5 =	sld [smem:$0x3FB0]  }
0x2b: {  	s6 =	sld [smem:$0x3FB1]  }
0x2c: {  	s7 =	sld [smem:$0x3FB2]  }
0x2d: {  	s3 =	simm.s32 $0x108;
	s8 =	sld [smem:$0x3FB3]  }
0x2e: {  	s3 =	simm.s32 @!p0 $0x1082;
	s9 =	sld [smem:$0x3FB4]  }
0x2f: {  	lr =	sadd.s32 s0, s3;
	s0 =	sld [smem:$0x3FAB]  }
0x30: {  	s3 =	sld [smem:$0x3FAE]  }
0x31: {  	[smem:$0x3FB7] =	sst s10  }
0x32: {  	s10 =	sld [smem:$0x3FB5];
	_ =	sdelay $0x3  }
0x33: {  	p0 =	seq.s32 s10, $0x1;
	s10 =	sld [smem:$0x3FB7];
	_ =	sdelay $0x3  }
0x34: {  	[smem:$0x3FB7] =	sst s10  }
0x35: {  	s10 =	sld [smem:$0x3FB6];
	_ =	sdelay $0x3  }
0x36: {  	p1 =	seq.s32 s10, $0x1;
	s10 =	sld [smem:$0x3FB7];
	_ =	sdelay $0x3  }
0x37: {  	[smem:$0x3FB7] =	sst s10  }
0x38: {  	s10 =	sld [smem:$0x3FB8]  }
0x39: {  	_ = 	snop;
	(pc) =	sbr.ind lr, $3  }
0x3a: {  	_ = 	snop  }
0x3b: {  	_ = 	snop  }
0x3c: {  	p2 =	seq.s32 s10, $0x1;
	s10 =	sld [smem:$0x3FB7]  }
0x3d: {  	_ =	shalt  }
0x3e: {  	_ =	shalt  }
0x3f: {  	_ =	shalt  }
0x40: {  	_ =	shalt  }
0x41: {  	_ =	shalt  }
0x42: {  	_ =	shalt  }
0x43: {  	_ =	shalt  }
0x44: {  	_ =	shalt  }
0x45: {  	_ =	shalt  }
0x46: {  	_ =	shalt  }
0x47: {  	_ =	shalt  }
0x48: {  	_ =	shalt  }
0x49: {  	_ =	shalt  }
0x4a: {  	_ =	shalt  }
0x4b: {  	_ =	shalt  }
0x4c: {  	_ =	shalt  }
0x4d: {  	_ =	shalt  }
0x4e: {  	_ =	shalt  }
0x4f: {  	_ =	shalt  }
0x50: {  	_ =	shalt  }
0x51: {  	_ =	shalt  }
0x52: {  	_ =	shalt  }
0x53: {  	_ =	shalt  }
0x54: {  	_ =	shalt  }
0x55: {  	_ =	shalt  }
0x56: {  	_ =	shalt  }
0x57: {  	_ =	shalt  }
0x58: {  	_ =	shalt  }
0x59: {  	_ =	shalt  }
0x5a: {  	_ =	shalt  }
0x5b: {  	_ =	shalt  }
0x5c: {  	_ =	shalt  }
0x5d: {  	_ =	shalt  }
0x5e: {  	_ =	shalt  }
0x5f: {  	_ =	shalt  }
0x60: {  	_ =	shalt  }
0x61: {  	_ =	shalt  }
0x62: {  	_ =	shalt  }
0x63: {  	_ =	shalt  }
0x64: {  	_ =	shalt  }
0x65: {  	_ =	shalt  }
0x66: {  	_ =	shalt  }
0x67: {  	_ =	shalt  }
0x68: {  	_ =	shalt  }
0x69: {  	_ =	shalt  }
0x6a: {  	_ =	shalt  }
0x6b: {  	_ =	shalt  }
0x6c: {  	_ =	shalt  }
0x6d: {  	_ =	shalt  }
0x6e: {  	_ =	shalt  }
0x6f: {  	_ =	shalt  }
0x70: {  	_ =	shalt  }
0x71: {  	_ =	shalt  }
0x72: {  	_ =	shalt  }
0x73: {  	_ =	shalt  }
0x74: {  	_ =	shalt  }
0x75: {  	_ =	shalt  }
0x76: {  	_ =	shalt  }
0x77: {  	_ =	shalt  }
0x78: {  	_ =	shalt  }
0x79: {  	_ =	shalt  }
0x7a: {  	_ =	shalt  }
0x7b: {  	_ =	shalt  }
0x7c: {  	_ =	shalt  }
0x7d: {  	_ =	shalt  }
0x7e: {  	_ =	shalt  }
0x7f: {  	_ =	shalt  }
0x80: {  	_ =	shalt  }
0x81: {  	_ =	shalt  }
0x82: {  	_ =	shalt  }
0x83: {  	_ =	shalt  }
0x84: {  	_ =	shalt  }
0x85: {  	_ =	shalt  }
0x86: {  	_ =	shalt  }
0x87: {  	_ =	shalt  }
.Lfunc_end0:
.L_simem_size_0:
called_computation_lowered:
.L_overlay_start_0:
0x88: {  	s2 =	sld [smem:$0x3FD9]  }
0x89: {  	s3 =	sld [smem:$0x3FFE];
	_ =	sdelay $0x1  }
0x8a: {  	s1 =	srdreg.scid  }
0x8b: {  	s0 =	sand.u32 $0x1, s1  }
0x8c: {  	s17 =	sshll.u32 s0, $0xA;
	s2 =	sadd.s32 s3, s2  }
0x8d: {  	s2 =	sadd.s32 s2, s17  }
0x8e: {  	[smem:$0x3FC3] =	sst s2  }
0x8f: {  	_ = 	snop  }
0x90: {  	s2 =	sld [smem:$0x3FD0];
	(tm) =	ssettm $0x1  }
0x91: {  	s18 =	sld [smem:$0x3FFB];
	_ =	sdelay $0x3  }
0x92: {  	_ =	strace s18  }
0x93: {  	s3 =	sld [smem:$0x3FFC];
	_ =	sdelay $0x3  }
0x94: {  	_ =	strace s3  }
0x95: {  	s3 =	sld [smem:$0x3FFD];
	_ =	sdelay $0x3  }
0x96: {  	_ =	strace s3  }
0x97: {  	_ =	strace $0x8FFFFFFF  }
0x98: {  	s19 =	sld [smem:$0x3FDB];
	_ =	sdelay $0x1  }
0x99: {  	s4 =	simm.s32 $_scs_section_size  }
0x9a: {  	s5 =	simm.s32 $_size__tile_overlayer_lowered;
	s6 =	simm.s32 $_tile_overlayer_lowered  }
0x9b: {  	s22 =	simm.s32 $0x1BFF;
	s21 =	sshll.u32 s6, $0x1;
	s3 =	sadd.s32 s4, s19  }
0x9c: {  	s7 =	simm.s32 $0x0;
	s20 =	sshll.u32 s5, $0x1;
	s5 =	sadd.s32 s21, s3  }
0x9d: {  	[timem:s7], [sflag:s22] =	dma.local [hbm:s5], s20  }
0x9e: {  	_ =	swait.ge [sflag:s22], s20  }
0x9f: {  	s4 =	ssub.s32 $0x0, s20;
	[sflag:s22] =	ssyncset.done $0x0  }
0xa0: {  	[sflag:s22] =	ssyncadd.s32 s4;
	_ =	sdelay $0x1  }
0xa1: {  	s23 =	simm.s32 $0x1B8B  }
0xa2: {  	_ =	swait.ge [sflag:s23], $0x1  }
0xa3: {  	[sflag:s23] =	ssyncset.done $0x0  }
0xa4: {  	s25 =	simm.s32 $0x1B8E;
	s24 =	sld [smem:$0x3FFE];
	[sflag:s23] =	ssyncadd.s32 $0xFFFFFFFF  }
0xa5: {  	s26 =	simm.s32 $execute0_lowered;
	[smem:$0x3FD2] =	sst s25  }
0xa6: {  	s5 =	sshll.u32 s26, $0x1;
	_ =	strace $0x80000046;
	[dreg:$0x1] =	wrdreg $0xFFFFFFFF  }
0xa7: {  	s28 =	simm.s32 $_size_execute0_lowered;
	s3 =	sadd.s32 s3, s5;
	[dreg:$0x0] =	wrdreg $0x0  }
0xa8: {  	s5 =	sshll.u32 s28, $0x1;
	[dreg:$0x2] =	wrdreg s3  }
0xa9: {  	[dreg:$0x3] =	wrdreg s5  }
0xaa: {  	[dreg:$0x4] =	wrdreg $0xC0  }
0xab: {  	_ =	task [dreg:s7], $0x5FFFF  }
0xac: {  	[dreg:$0x1] =	wrdreg $0xFFFFFFFF  }
0xad: {  	[dreg:$0x0] =	wrdreg $0x60  }
0xae: {  	[dreg:$0x2] =	wrdreg s2  }
0xaf: {  	[dreg:$0x3] =	wrdreg s24  }
0xb0: {  	[dreg:$0x4] =	wrdreg $0x1000  }
0xb1: {  	[dreg:$0x5] =	wrdreg $0x9  }
0xb2: {  	_ =	task.clear_ibuf [dreg:s7], $0x6FFFF;
	_ =	strace $0x90000046  }
0xb3: {  	s29 =	simm.s32 $0x9;
	_ =	strace $0x80000048  }
0xb4: {  	_ =	swait.ge [sflag:s29], $0x1  }
0xb5: {  	[sflag:s29] =	ssyncadd.s32 $0xFFFFFFFF  }
0xb6: {  	_ =	strace $0x90000048  }
0xb7: {  	_ =	sfence  }
0xb8: {  	s30 =	sld [smem:$0x0];
	_ =	sdelay $0x2  }
0xb9: {  	s31 =	sshll.u32 s1, $0xD;
	s1 =	sshrl.u32 s1, $0x2  }
0xba: {  	s3 =	sand.u32 $0x4000, s31;
	s1 =	sadd.s32 s1, s30  }
0xbb: {  	s0 =	sor.u32 s3, s0;
	s1 =	sshll.u32 s1, $0x11  }
0xbc: {  	s0 =	sor.u32 s1, s0  }
0xbd: {  	s0 =	sadd.s32 $0x8F2B, s0  }
0xbe: {  	[sflag:s0] =	ssyncadd.remote.s32 $0x1  }
0xbf: {  	_ =	sfence.sel $0xFFFF  }
0xc0: {  	[dreg:$0x0] =	wrdreg $0xFFFFFFFF;
	(pc) =	sbr.abs _section_cstart, $3  }
0xc1: {  	[dreg:$0x1] =	wrdreg $0xFFFFFFFF  }
0xc2: {  	_ =	task.clear_ibuf [dreg:s7], $0x2FFFF;
	_ =	strace $0x9FFFFFFF  }
0xc3: {  	(tm) =	ssettm $0x7FFFFFFF  }
tec
execute0_lowered:
.L_overlay_start_1:
0x0: {  	(tag) =	ssettag $0x1  }
0x1: {  	s7 =	rddreg [dreg:$0x0]  }
0x2: {  	s4 =	rddreg [dreg:$0x1]  }
0x3: {  	s2 =	rddreg [dreg:$0x2]  }
0x4: {  	s0 =	rddreg [dreg:$0x3];
	s1 =	stileid.u32  }
0x5: {  	s5 =	srdreg.scid;
	s8 =	smul.u32 $0x9E0, s1  }
0x6: {  	s3 =	simm.s32 $0x0;
	s5 =	sand.u32 $0x1, s5;
	s6 =	smul.u32 $0x500, s1  }
0x7: {  	[smem:$0x7FF] =	sst s3;
	s9 =	smul.u32 $0x280, s1;
	s13 =	sshll.u32 s1, $0x6  }
0x8: {  	s10 =	sshll.u32 s5, $0x7;
	_ =	strace $0x80000047;
	s12 =	ssub.s32 $0x2, s5  }
0x9: {  	s14 =	smul.u32 $0x4F0, s5;
	s5 =	sor.u32 $0x1C01, s13;
	s13 =	simm.s32 $0x20  }
0xa: {  	s11 =	sadd.s32 s8, s4;
	s6 =	sor.u32 s10, s6;
	s28 =	sshrl.u32 s9, $0x3  }
0xb: {  	s29 =	sshrl.u32 s12, $0x1;
	s15 =	sadd.s32 s9, s2;
	s31 =	sadd.s32 s8, s7  }
0xc: {  	s6 =	sshrl.u32 s6, $0x3;
	s10 =	sadd.s32 s28, s4;
	s12 =	ssub.s32 s12, s29  }
0xd: {  	s30 =	sadd.s32 s14, s11;
	s9 =	sadd.s32 s14, s31;
	s11 =	simm.s32 $0x1  }
0xe: {  	s14 =	simm.s32 $0x10;
	s6 =	sadd.s32 s6, s4;
	s4 =	sadd.s32 $0xB200, s10  }
0xf: {  	s7 =	smax.u32 s12, $0x1;
	s8 =	sadd.s32 $0x1400, s30;
	s10 =	sshrl.u32 s15, $0x3  }
0x10: {  	s12 =	simm.s32 $0x80;
	s15 =	simm.s32 $0x0;
	s6 =	sadd.s32 $0xB800, s6  }
.LBB2_1:
0x11: {  	[spmem:s10], [sflag:s5] =	dma.local [hbm:s4], $0x50  }
0x12: {  	_ =	swait.ge [sflag:s11], $0x50  }
0x13: {  	[sflag:s11] =	ssyncset.done $0x0  }
0x14: {  	[sflag:s11] =	ssyncadd.s32 $0xFFFFFFB0  }
0x15: {  	s16 =	sadd.s32 $0x0, s9;
	[bflag:$0x0] =	sbarrier.arrive $0xFFFF  }
0x16: {  	[tilespmem:s3], [sflag:$0x1] =	stream.linear.gather [hbm4b:s16+s3], $0x80, $0x38;
	[tilespmem:$0x380] =	vst v63  }
0x17: {  	_ =	swait.ge [sflag:s11], $0x80  }
0x18: {  	[sflag:s11] =	ssyncset.done $0x0  }
0x19: {  	s31 =	sadd.s32 $0x0, s8;
	[sflag:s11] =	ssyncadd.s32 $0xFFFFFF80  }
0x1a: {  	[tilespmem:s12], [sflag:$0x1] =	stream.linear.gather [hbm4b:s31+s3], $0x80, $0x38;
	[tilespmem:$0x380] =	vst v63  }
0x1b: {  	_ =	swait.ge [sflag:s11], $0x80  }
0x1c: {  	[sflag:s11] =	ssyncset.done $0x0  }
0x1d: {  	[sflag:s11] =	ssyncadd.s32 $0xFFFFFF80  }
0x1e: {  	[spmem:s2] =	stream.indirect.scatter.add.f32 [tilespmem:s12], [sflag:$0x1], $0x1, s3, s12, $0xb8;
	[tilespmem:$0x380] =	vst v63  }
0x1f: {  	_ =	swait.ge [sflag:s11], $0x80  }
0x20: {  	s17 =	simm.s32 $0x20;
	s16 =	simm.s32 $0x10;
	[sflag:s11] =	ssyncset.done $0x0  }
.LBB2_2:
0x21: {  	s18 =	sadd.s32 s16, s9  }
0x22: {  	[sflag:s11] =	ssyncadd.s32 $0xFFFFFF80;
	s19 =	smov.u32 s17;
	s20 =	sadd.s32 $0x10, s17  }
0x23: {  	[tilespmem:s3], [sflag:$0x1] =	stream.linear.gather [hbm4b:s18+s3], $0x80, $0x38;
	[tilespmem:$0x380] =	vst v63  }
0x24: {  	p0 =	sne.s32 s17, $0x4E0;
	_ =	swait.ge [sflag:s11], $0x80  }
0x25: {  	[sflag:s11] =	ssyncset.done $0x0  }
0x26: {  	s17 =	sadd.s32 s16, s8;
	s16 =	smov.u32 s19;
	[sflag:s11] =	ssyncadd.s32 $0xFFFFFF80  }
0x27: {  	[tilespmem:s12], [sflag:$0x1] =	stream.linear.gather [hbm4b:s17+s3], $0x80, $0x38;
	[tilespmem:$0x380] =	vst v63  }
0x28: {  	_ =	swait.ge [sflag:s11], $0x80  }
.Ltmp0:
0x29: {  	[sflag:s11] =	ssyncset.done $0x0;
	(pc) =	sbr.rel @p0 .LBB2_2-.Ltmp0, $4  }
0x2a: {  	[sflag:s11] =	ssyncadd.s32 $0xFFFFFF80  }
0x2b: {  	[spmem:s2] =	stream.indirect.scatter.add.f32 [tilespmem:s12], [sflag:$0x1], $0x1, s3, s12, $0xb8;
	[tilespmem:$0x380] =	vst v63  }
0x2c: {  	_ =	swait.ge [sflag:s11], $0x80  }
0x2d: {  	s17 =	smov.u32 s20;
	[sflag:s11] =	ssyncset.done $0x0  }
0x2e: {  	s17 =	sadd.s32 s16, s9;
	[sflag:s11] =	ssyncadd.s32 $0xFFFFFF80  }
0x2f: {  	[tilespmem:s3], [sflag:$0x1] =	stream.linear.gather [hbm4b:s17+s3], $0x80, $0x38;
	[tilespmem:$0x380] =	vst v63  }
0x30: {  	_ =	swait.ge [sflag:s11], $0x80  }
0x31: {  	[sflag:s11] =	ssyncset.done $0x0  }
0x32: {  	s31 =	sadd.s32 s16, s8;
	[sflag:s11] =	ssyncadd.s32 $0xFFFFFF80  }
0x33: {  	[tilespmem:s12], [sflag:$0x1] =	stream.linear.gather [hbm4b:s31+s3], $0x80, $0x38;
	[tilespmem:$0x380] =	vst v63  }
0x34: {  	_ =	swait.ge [sflag:s11], $0x80  }
0x35: {  	[sflag:s11] =	ssyncset.done $0x0  }
0x36: {  	[sflag:s11] =	ssyncadd.s32 $0xFFFFFF80  }
0x37: {  	[spmem:s2] =	stream.indirect.scatter.add.f32 [tilespmem:s12], [sflag:$0x1], $0x1, s3, s12, $0xb8;
	[tilespmem:$0x380] =	vst v63  }
0x38: {  	_ =	swait.ge [sflag:s11], $0x80  }
0x39: {  	s15 =	sadd.s32 $0x1, s15;
	[sflag:s11] =	ssyncset.done $0x0  }
0x3a: {  	p0 =	sne.s32 s15, s7;
	[sflag:s11] =	ssyncadd.s32 $0xFFFFFF80  }
.Ltmp1:
0x3b: {  	[bflag:$0x0] =	sbarrier.arrive $0xFFFF;
	(pc) =	sbr.rel @p0 .LBB2_1-.Ltmp1, $4  }
0x3c: {  	[hbm:s6@s13], [sflag:s5] =	dma.strided [spmem:s10@s14], $0x50, s11, $0x10   }
0x3d: {  	_ =	swait.ge [sflag:s11], $0x50  }
0x3e: {  	[sflag:s11] =	ssyncset.done $0x0  }
0x3f: {  	[sflag:s11] =	ssyncadd.s32 $0xFFFFFFB0  }
0x40: {  	_ =	sfence.sel $0x180000  }
0x41: {  	[bflag:$0x0] =	sbarrier.arrive $0xFFFF  }
0x42: {  	p0 =	sne.s32 s1, $0x0;
	_ =	strace $0x90000047  }
0x43: {  	s0 =	sadd.s32 @!p0 $0x100000, s0;
	[bflag:$0x2] =	sbarrier.arrive $0xFFFF  }
0x44: {  	[sflag:s0] =	ssyncadd.tile.s32 @!p0 $0x1;
	_ =	shalt  }
.Lfunc_end2:
_tile_overlayer_lowered:
.L_overlay_start_2:
0x45: {  	(tag) =	ssettag $0x2  }
0x46: {  	s0 =	rddreg [dreg:$0x0];
	s2 =	stileid.u32  }
0x47: {  	s1 =	rddreg [dreg:$0x1];
	p0 =	sne.s32 s2, $0x0  }
0x48: {  	s3 =	rddreg [dreg:$0x2];
	[bflag:$0x3] =	sbarrier.arrive $0xFFFF;
	s2 =	simm.s32 @!p0 $0x1C01  }
0x49: {  	[timem:s3], [sflag:s2] =	dma.local @!p0 [hbm:s0], s1  }
0x4a: {  	s0 =	simm.s32 @!p0 $0x1  }
0x4b: {  	_ =	swait.ge @!p0 [sflag:s0], s1  }
0x4c: {  	s1 =	ssub.s32 @!p0 $0x0, s1;
	[sflag:s0] =	ssyncset.done @!p0 $0x0  }
0x4d: {  	[sflag:s0] =	ssyncadd.s32 @!p0 s1  }
0x4e: {  	[bflag:$0x3] =	sbarrier.arrive $0xFFFF  }
0x4f: {  	_ =	shalt  }

// kernel: kernel.9.cloned.1.call-start
scs
__scs_entry_jumppad:
0x0: {  	(pc) =	sbr.rel $0x88, $3  }
0x1: {  	(tag) =	ssettag $0x0;
	lr =	simm.s32 $0x1  }
0x2: {  	[smem:$0x3F9C] =	sst lr;
	_ =	strace $0xD0000000  }
0x3: {  	_ = 	snop  }
0x4: {  	_ = 	snop  }
0x5: {  	_ = 	snop  }
0x6: {  	_ = 	snop  }
0x7: {  	_ = 	snop  }
__scs_overlays_trampoline_lowered:
0x8: {  	[smem:$0x3FAB] =	sst s0  }
0x9: {  	[smem:$0x3FAC] =	sst s1  }
0xa: {  	[smem:$0x3FAD] =	sst s2  }
0xb: {  	[smem:$0x3FAE] =	sst s3  }
0xc: {  	[smem:$0x3FAF] =	sst s4  }
0xd: {  	[smem:$0x3FB0] =	sst s5  }
0xe: {  	[smem:$0x3FB1] =	sst s6  }
0xf: {  	[smem:$0x3FB2] =	sst s7  }
0x10: {  	[smem:$0x3FB3] =	sst s8  }
0x11: {  	[smem:$0x3FB4] =	sst s9;
	s0 =	simm.s32 @!p0 $0x0  }
0x12: {  	s1 =	sld [smem:$0x3F9A];
	s0 =	simm.s32 @p0 $0x1  }
0x13: {  	[smem:$0x3FB5] =	sst s0;
	s0 =	simm.s32 @!p1 $0x0  }
0x14: {  	s2 =	sld [smem:$0x3F99];
	s0 =	simm.s32 @p1 $0x1  }
0x15: {  	[smem:$0x3FB6] =	sst s0;
	s0 =	simm.s32 @!p2 $0x0  }
0x16: {  	s3 =	sld [smem:$0x3FDB];
	s0 =	simm.s32 @p2 $0x1  }
0x17: {  	s4 =	simm.s32 $0x1BF5;
	[smem:$0x3FB8] =	sst s0  }
0x18: {  	s0 =	sld [smem:$0x3F9B];
	_ =	swait.ge [sflag:s4], $0x0  }
0x19: {  	s7 =	sld [smem:$0x3F9C]  }
0x1a: {  	s8 =	sadd.s32 $0xFFFFE003, lr  }
0x1b: {  	s9 =	sadd.s32 $0xFFFFFEF7, lr;
	s5 =	simm.s32 $0xFFFFFFFF;
	p2 =	slt.u32 s8, $0xFFFFF086  }
0x1c: {  	p1 =	slt.u32 s9, $0xF7A;
	s5 =	simm.s32 @!p2 $0x0  }
0x1d: {  	s5 =	simm.s32 @p1 $0x1;
	p0 =	seq.s32 s7, s2  }
0x1e: {  	s7 =	smul.u32 @!p0 $0xF7A, s2;
	p2 =	seq.s32 @!p0 s5, $0x0  }
0x1f: {  	s9 =	smul.u32 $0xF7A, s1;
	s8 =	simm.s32 @!p0 $0x1BF5;
	p2 =	por !p2, p0  }
0x20: {  	[sflag:s8] =	ssyncset.s32 @!p0 $0xFFFFF086;
	s6 =	sadd.s32 @!p0 s3, s7;
	s7 =	simm.s32 @!p0 $0x108  }
0x21: {  	s3 =	sadd.s32 s3, s9;
	s6 =	sadd.s32 @!p0 $0x88, s6;
	s7 =	simm.s32 @p2 $0x1082  }
0x22: {  	[simem:s7], [sflag:s8] =	dma.local @!p0 [hbm:s6], $0xF7A  }
0x23: {  	s9 =	sor.u32 $0xD0000000, s2;
	s6 =	simm.s32 $0x108;
	_ =	swait.ge @!p0 [sflag:s8], $0x0  }
0x24: {  	s3 =	sadd.s32 $0x88, s3;
	s6 =	simm.s32 @!p1 $0x1082;
	[sflag:s4] =	ssyncset.s32 $0xFFFFF086  }
0x25: {  	[simem:s6], [sflag:s4] =	dma.local [hbm:s3], $0xF7A  }
0x26: {  	[smem:$0x3F9C] =	sst s1;
	(tag) =	ssettag s2;
	_ =	strace s9  }
0x27: {  	s1 =	sld [smem:$0x3FAC]  }
0x28: {  	s2 =	sld [smem:$0x3FAD]  }
0x29: {  	s4 =	sld [smem:$0x3FAF]  }
0x2a: {  	p0 =	seq.s32 s5, $0x0;
	s5 =	sld [smem:$0x3FB0]  }
0x2b: {  	s6 =	sld [smem:$0x3FB1]  }
0x2c: {  	s7 =	sld [smem:$0x3FB2]  }
0x2d: {  	s3 =	simm.s32 $0x108;
	s8 =	sld [smem:$0x3FB3]  }
0x2e: {  	s3 =	simm.s32 @!p0 $0x1082;
	s9 =	sld [smem:$0x3FB4]  }
0x2f: {  	lr =	sadd.s32 s0, s3;
	s0 =	sld [smem:$0x3FAB]  }
0x30: {  	s3 =	sld [smem:$0x3FAE]  }
0x31: {  	[smem:$0x3FB7] =	sst s10  }
0x32: {  	s10 =	sld [smem:$0x3FB5];
	_ =	sdelay $0x3  }
0x33: {  	p0 =	seq.s32 s10, $0x1;
	s10 =	sld [smem:$0x3FB7];
	_ =	sdelay $0x3  }
0x34: {  	[smem:$0x3FB7] =	sst s10  }
0x35: {  	s10 =	sld [smem:$0x3FB6];
	_ =	sdelay $0x3  }
0x36: {  	p1 =	seq.s32 s10, $0x1;
	s10 =	sld [smem:$0x3FB7];
	_ =	sdelay $0x3  }
0x37: {  	[smem:$0x3FB7] =	sst s10  }
0x38: {  	s10 =	sld [smem:$0x3FB8]  }
0x39: {  	_ = 	snop;
	(pc) =	sbr.ind lr, $3  }
0x3a: {  	_ = 	snop  }
0x3b: {  	_ = 	snop  }
0x3c: {  	p2 =	seq.s32 s10, $0x1;
	s10 =	sld [smem:$0x3FB7]  }
0x3d: {  	_ =	shalt  }
0x3e: {  	_ =	shalt  }
0x3f: {  	_ =	shalt  }
0x40: {  	_ =	shalt  }
0x41: {  	_ =	shalt  }
0x42: {  	_ =	shalt  }
0x43: {  	_ =	shalt  }
0x44: {  	_ =	shalt  }
0x45: {  	_ =	shalt  }
0x46: {  	_ =	shalt  }
0x47: {  	_ =	shalt  }
0x48: {  	_ =	shalt  }
0x49: {  	_ =	shalt  }
0x4a: {  	_ =	shalt  }
0x4b: {  	_ =	shalt  }
0x4c: {  	_ =	shalt  }
0x4d: {  	_ =	shalt  }
0x4e: {  	_ =	shalt  }
0x4f: {  	_ =	shalt  }
0x50: {  	_ =	shalt  }
0x51: {  	_ =	shalt  }
0x52: {  	_ =	shalt  }
0x53: {  	_ =	shalt  }
0x54: {  	_ =	shalt  }
0x55: {  	_ =	shalt  }
0x56: {  	_ =	shalt  }
0x57: {  	_ =	shalt  }
0x58: {  	_ =	shalt  }
0x59: {  	_ =	shalt  }
0x5a: {  	_ =	shalt  }
0x5b: {  	_ =	shalt  }
0x5c: {  	_ =	shalt  }
0x5d: {  	_ =	shalt  }
0x5e: {  	_ =	shalt  }
0x5f: {  	_ =	shalt  }
0x60: {  	_ =	shalt  }
0x61: {  	_ =	shalt  }
0x62: {  	_ =	shalt  }
0x63: {  	_ =	shalt  }
0x64: {  	_ =	shalt  }
0x65: {  	_ =	shalt  }
0x66: {  	_ =	shalt  }
0x67: {  	_ =	shalt  }
0x68: {  	_ =	shalt  }
0x69: {  	_ =	shalt  }
0x6a: {  	_ =	shalt  }
0x6b: {  	_ =	shalt  }
0x6c: {  	_ =	shalt  }
0x6d: {  	_ =	shalt  }
0x6e: {  	_ =	shalt  }
0x6f: {  	_ =	shalt  }
0x70: {  	_ =	shalt  }
0x71: {  	_ =	shalt  }
0x72: {  	_ =	shalt  }
0x73: {  	_ =	shalt  }
0x74: {  	_ =	shalt  }
0x75: {  	_ =	shalt  }
0x76: {  	_ =	shalt  }
0x77: {  	_ =	shalt  }
0x78: {  	_ =	shalt  }
0x79: {  	_ =	shalt  }
0x7a: {  	_ =	shalt  }
0x7b: {  	_ =	shalt  }
0x7c: {  	_ =	shalt  }
0x7d: {  	_ =	shalt  }
0x7e: {  	_ =	shalt  }
0x7f: {  	_ =	shalt  }
0x80: {  	_ =	shalt  }
0x81: {  	_ =	shalt  }
0x82: {  	_ =	shalt  }
0x83: {  	_ =	shalt  }
0x84: {  	_ =	shalt  }
0x85: {  	_ =	shalt  }
0x86: {  	_ =	shalt  }
0x87: {  	_ =	shalt  }
.Lfunc_end0:
.L_simem_size_0:
called_computation.1_lowered:
.L_overlay_start_0:
0x88: {  	s2 =	sld [smem:$0x3FD9]  }
0x89: {  	s3 =	sld [smem:$0x3FFE];
	_ =	sdelay $0x1  }
0x8a: {  	s1 =	srdreg.scid  }
0x8b: {  	s0 =	sand.u32 $0x1, s1  }
0x8c: {  	s17 =	sshll.u32 s0, $0xA;
	s2 =	sadd.s32 s3, s2  }
0x8d: {  	s2 =	sadd.s32 s2, s17  }
0x8e: {  	[smem:$0x3FC3] =	sst s2  }
0x8f: {  	_ = 	snop  }
0x90: {  	s2 =	sld [smem:$0x3FD0];
	(tm) =	ssettm $0x1  }
0x91: {  	s18 =	sld [smem:$0x3FFB];
	_ =	sdelay $0x3  }
0x92: {  	_ =	strace s18  }
0x93: {  	s3 =	sld [smem:$0x3FFC];
	_ =	sdelay $0x3  }
0x94: {  	_ =	strace s3  }
0x95: {  	s3 =	sld [smem:$0x3FFD];
	_ =	sdelay $0x3  }
0x96: {  	_ =	strace s3  }
0x97: {  	_ =	strace $0x8FFFFFFF  }
0x98: {  	s19 =	sld [smem:$0x3FDB];
	_ =	sdelay $0x1  }
0x99: {  	s4 =	simm.s32 $_scs_section_size  }
0x9a: {  	s5 =	simm.s32 $_size__tile_overlayer_lowered;
	s6 =	simm.s32 $_tile_overlayer_lowered  }
0x9b: {  	s22 =	simm.s32 $0x1BFF;
	s21 =	sshll.u32 s6, $0x1;
	s3 =	sadd.s32 s4, s19  }
0x9c: {  	s7 =	simm.s32 $0x0;
	s20 =	sshll.u32 s5, $0x1;
	s5 =	sadd.s32 s21, s3  }
0x9d: {  	[timem:s7], [sflag:s22] =	dma.local [hbm:s5], s20  }
0x9e: {  	_ =	swait.ge [sflag:s22], s20  }
0x9f: {  	s4 =	ssub.s32 $0x0, s20;
	[sflag:s22] =	ssyncset.done $0x0  }
0xa0: {  	[sflag:s22] =	ssyncadd.s32 s4;
	_ =	sdelay $0x1  }
0xa1: {  	s23 =	simm.s32 $0x1B8B  }
0xa2: {  	_ =	swait.ge [sflag:s23], $0x1  }
0xa3: {  	[sflag:s23] =	ssyncset.done $0x0  }
0xa4: {  	s25 =	simm.s32 $0x1B8E;
	s24 =	sld [smem:$0x3FFE];
	[sflag:s23] =	ssyncadd.s32 $0xFFFFFFFF  }
0xa5: {  	s26 =	simm.s32 $execute0_lowered;
	[smem:$0x3FD2] =	sst s25  }
0xa6: {  	s5 =	sshll.u32 s26, $0x1;
	_ =	strace $0x80000049;
	[dreg:$0x1] =	wrdreg $0xFFFFFFFF  }
0xa7: {  	s28 =	simm.s32 $_size_execute0_lowered;
	s3 =	sadd.s32 s3, s5;
	[dreg:$0x0] =	wrdreg $0x0  }
0xa8: {  	s5 =	sshll.u32 s28, $0x1;
	[dreg:$0x2] =	wrdreg s3  }
0xa9: {  	[dreg:$0x3] =	wrdreg s5  }
0xaa: {  	[dreg:$0x4] =	wrdreg $0xC0  }
0xab: {  	_ =	task [dreg:s7], $0x5FFFF  }
0xac: {  	[dreg:$0x1] =	wrdreg $0xFFFFFFFF  }
0xad: {  	[dreg:$0x0] =	wrdreg $0x60  }
0xae: {  	[dreg:$0x2] =	wrdreg s24  }
0xaf: {  	[dreg:$0x3] =	wrdreg s2  }
0xb0: {  	[dreg:$0x4] =	wrdreg $0x41800  }
0xb1: {  	[dreg:$0x5] =	wrdreg $0x9  }
0xb2: {  	_ =	task.clear_ibuf [dreg:s7], $0x6FFFF;
	_ =	strace $0x90000049  }
0xb3: {  	s29 =	simm.s32 $0x9;
	_ =	strace $0x8000004B  }
0xb4: {  	_ =	swait.ge [sflag:s29], $0x1  }
0xb5: {  	[sflag:s29] =	ssyncadd.s32 $0xFFFFFFFF  }
0xb6: {  	_ =	strace $0x9000004B  }
0xb7: {  	_ =	sfence  }
0xb8: {  	s30 =	sld [smem:$0x0];
	_ =	sdelay $0x2  }
0xb9: {  	s31 =	sshll.u32 s1, $0xD;
	s1 =	sshrl.u32 s1, $0x2  }
0xba: {  	s3 =	sand.u32 $0x4000, s31;
	s1 =	sadd.s32 s1, s30  }
0xbb: {  	s0 =	sor.u32 s3, s0;
	s1 =	sshll.u32 s1, $0x11  }
0xbc: {  	s0 =	sor.u32 s1, s0  }
0xbd: {  	s0 =	sadd.s32 $0x8F2B, s0  }
0xbe: {  	[sflag:s0] =	ssyncadd.remote.s32 $0x1  }
0xbf: {  	_ =	sfence.sel $0xFFFF  }
0xc0: {  	[dreg:$0x0] =	wrdreg $0xFFFFFFFF;
	(pc) =	sbr.abs _section_cstart, $3  }
0xc1: {  	[dreg:$0x1] =	wrdreg $0xFFFFFFFF  }
0xc2: {  	_ =	task.clear_ibuf [dreg:s7], $0x2FFFF;
	_ =	strace $0x9FFFFFFF  }
0xc3: {  	(tm) =	ssettm $0x7FFFFFFF  }
tec
execute0_lowered:
.L_overlay_start_1:
0x0: {  	(tag) =	ssettag $0x1  }
0x1: {  	s8 =	rddreg [dreg:$0x0]  }
0x2: {  	s2 =	rddreg [dreg:$0x1]  }
0x3: {  	s3 =	rddreg [dreg:$0x2]  }
0x4: {  	s0 =	rddreg [dreg:$0x3]  }
0x5: {  	s4 =	simm.s32 $0x0;
	s1 =	stileid.u32;
	s5 =	srdreg.scid  }
0x6: {  	s16 =	simm.s32 $0x100;
	s17 =	simm.s32 $0x180;
	s18 =	simm.s32 $0x1  }
0x7: {  	[smem:$0x7FF] =	sst s4;
	s9 =	smul.u32 $0x14000, s1;
	s10 =	sand.u32 $0x1, s5  }
0x8: {  	s5 =	sadd.s32 $0x16000, s8;
	s6 =	sadd.s32 $0xC200, s8;
	s7 =	sadd.s32 $0x1400, s8  }
0x9: {  	s14 =	smul.u32 $0x50000, s1;
	s29 =	sshll.u32 s1, $0x1;
	s31 =	sshll.u32 s1, $0x6  }
0xa: {  	_ =	strace $0x8000004A;
	s11 =	smul.u32 $0x140000, s10;
	s28 =	ssub.s32 $0x2, s10  }
0xb: {  	s10 =	sor.u32 s10, s29;
	s12 =	sshrl.u32 s9, $0x3;
	s13 =	sshrl.u32 s28, $0x1  }
0xc: {  	s30 =	sshrl.u32 s14, $0x2;
	s10 =	smul.u32 $0x4F, s10;
	s9 =	sadd.s32 s9, s11  }
0xd: {  	s12 =	sadd.s32 s12, s8;
	s13 =	ssub.s32 s28, s13;
	s9 =	sshrl.u32 s9, $0x3  }
0xe: {  	s14 =	sadd.s32 s30, s3;
	s15 =	sadd.s32 s9, s8;
	s8 =	sadd.s32 $0x3E000, s12  }
0xf: {  	s9 =	sor.u32 $0x1C02, s31;
	s12 =	smax.u32 s13, $0x1;
	s13 =	sshrl.u32 s14, $0x3  }
0x10: {  	s14 =	simm.s32 $0x2;
	s11 =	sadd.s32 $0x66000, s15;
	s15 =	simm.s32 $0x80  }
.LBB2_1:
0x11: {  	[spmem:s13], [sflag:s9] =	dma.local [hbm:s8], $0x2800  }
0x12: {  	_ =	swait.ge [sflag:s14], $0x2800  }
0x13: {  	[sflag:s14] =	ssyncset.done $0x0  }
0x14: {  	[sflag:s14] =	ssyncadd.s32 $0xFFFFD800  }
0x15: {  	s19 =	simm.s32 $0x0;
	[bflag:$0x0] =	sbarrier.arrive $0xFFFF  }
.LBB2_2:
0x16: {  	s20 =	sadd.s32 s10, s19  }
0x17: {  	s20 =	sshll.u32 s20, $0x4  }
0x18: {  	s22 =	simm.s32 $0x0;
	s21 =	sadd.s32 s6, s20  }
0x19: {  	[tilespmem:s22], [sflag:$0x2] =	stream.linear.gather [hbm4b:s21+s22], $0x80, $0x38;
	[tilespmem:$0x18180] =	vst v63  }
0x1a: {  	_ =	swait.ge [sflag:s14], $0x80  }
0x1b: {  	[sflag:s14] =	ssyncset.done $0x0  }
0x1c: {  	s31 =	sadd.s32 s2, s20;
	[sflag:s14] =	ssyncadd.s32 $0xFFFFFF80  }
0x1d: {  	[tilespmem:s15], [sflag:$0x2] =	stream.linear.gather [hbm4b:s31+s22], $0x80, $0x38;
	[tilespmem:$0x18180] =	vst v63  }
0x1e: {  	_ =	swait.ge [sflag:s14], $0x80  }
0x1f: {  	[sflag:s14] =	ssyncset.done $0x0  }
0x20: {  	s20 =	sadd.s32 s7, s20;
	[sflag:s14] =	ssyncadd.s32 $0xFFFFFF80  }
0x21: {  	[tilespmem:s16], [sflag:$0x2] =	stream.linear.gather [hbm4b:s20+s22], $0x80, $0x38;
	[tilespmem:$0x18180] =	vst v63  }
0x22: {  	_ =	swait.ge [sflag:s14], $0x80  }
0x23: {  	[sflag:s14] =	ssyncset.done $0x0  }
0x24: {  	[sflag:s14] =	ssyncadd.s32 $0xFFFFFF80  }
0x25: {  	[tilespmem:s17], [sflag:$0x1] =	stream.indirect.gather [hbm4b:s5+s15], $0x80, s22, s15, $0xb8;
	[tilespmem:$0x18180] =	vst v63  }
0x26: {  	_ =	swait.ge [sflag:s18], $0x4000  }
0x27: {  	v0 =	vmov s22;
	[sflag:s18] =	ssyncset.done $0x0  }
0x28: {  	s20 =	simm.s32 $0x1C0;
	[sflag:s18] =	ssyncadd.s32 $0xFFFFC000  }
0x29: {  	v4 =	vld [tilespmem:s20+$0x30]  }
0x2a: {  	v7 =	vld [tilespmem:s20+$0x10]  }
0x2b: {  	v5 =	vld [tilespmem:s20+$0xFFFFFFC0]  }
0x2c: {  	v1 =	vld.idx.msk [tilespmem:v0+s16+$0x0], $0xffff  }
0x2d: {  	v9 =	vld [tilespmem:s20+$0xFFFFFFE0]  }
0x2e: {  	v0 =	vld [tilespmem:s20+$0xFFFFFFF0]  }
0x2f: {  	v2 =	vld [tilespmem:s20+$0x20]  }
0x30: {  	v3 =	vld [tilespmem:s20+$0xFFFFFFD0]  }
0x31: {  	v8 =	vmul.f32 v4, v1;
	v4 =	vld [tilespmem:s20+$0x0]  }
0x32: {  	v6 =	vmul.f32 v5, v1  }
0x33: {  	s21 =	simm.s32 $0x1;
	s22 =	simm.s32 $0x1C0;
	v5 =	vmul.f32 v9, v1;
	v7 =	vmul.f32 v7, v1  }
.LBB2_3:
0x34: {  	p0 =	sne.s32 s21, $0x7F  }
0x35: {  	v3 =	vmul.f32 v3, v1;
	v2 =	vmul.f32 v2, v1;
	[tilespmem:s20+$0x30] =	vst v8;
	s22 =	sadd.s32 $0x80, s22;
	s23 =	smov.u32 s21;
	s21 =	sadd.s32 $0x1, s21  }
0x36: {  	[tilespmem:s20+$0xFFFFFFC0] =	vst v6;
	v6 =	vmul.f32 v0, v1;
	v1 =	vmul.f32 v4, v1  }
0x37: {  	[tilespmem:s20+$0x10] =	vst v7  }
0x38: {  	v4 =	vmov s23;
	[tilespmem:s20+$0xFFFFFFE0] =	vst v5  }
0x39: {  	v0 =	vld [tilespmem:s22+$0xFFFFFFF0];
	[tilespmem:s20+$0xFFFFFFF0] =	vst v6  }
0x3a: {  	v5 =	vld [tilespmem:s22+$0x30];
	[tilespmem:s20+$0x0] =	vst v1  }
0x3b: {  	v7 =	vld [tilespmem:s22+$0x10];
	[tilespmem:s20+$0x20] =	vst v2  }
0x3c: {  	v6 =	vld [tilespmem:s22+$0xFFFFFFC0];
	[tilespmem:s20+$0xFFFFFFD0] =	vst v3;
	s20 =	smov.u32 s22  }
0x3d: {  	v1 =	vld.idx.msk [tilespmem:v4+s16+$0x0], $0xffff  }
0x3e: {  	v9 =	vld [tilespmem:s22+$0xFFFFFFE0]  }
0x3f: {  	v2 =	vld [tilespmem:s22+$0x20]  }
.Ltmp0:
0x40: {  	v3 =	vld [tilespmem:s22+$0xFFFFFFD0];
	(pc) =	sbr.rel @p0 .LBB2_3-.Ltmp0, $3  }
0x41: {  	v4 =	vld [tilespmem:s22+$0x0];
	_ =	sdelay $0x1  }
0x42: {  	v6 =	vmul.f32 v6, v1;
	v8 =	vmul.f32 v5, v1  }
0x43: {  	v7 =	vmul.f32 v7, v1;
	v5 =	vmul.f32 v9, v1  }
0x44: {  	[tilespmem:s20+$0x30] =	vst v8  }
0x45: {  	[tilespmem:s20+$0xFFFFFFC0] =	vst v6  }
0x46: {  	v0 =	vmul.f32 v0, v1;
	[tilespmem:s20+$0x10] =	vst v7  }
0x47: {  	v2 =	vmul.f32 v2, v1;
	[tilespmem:s20+$0xFFFFFFE0] =	vst v5  }
0x48: {  	v63 =	vmul.f32 v3, v1;
	[tilespmem:s20+$0xFFFFFFF0] =	vst v0  }
0x49: {  	s19 =	sadd.s32 $0x1, s19;
	v4 =	vmul.f32 v4, v1;
	[tilespmem:s20+$0x20] =	vst v2  }
0x4a: {  	p0 =	sne.s32 s19, $0x4F;
	[tilespmem:s20+$0xFFFFFFD0] =	vst v63  }
.Ltmp1:
0x4b: {  	[tilespmem:s20+$0x0] =	vst v4;
	(pc) =	sbr.rel @p0 .LBB2_2-.Ltmp1, $4  }
0x4c: {  	[spmem:s3] =	stream.indirect.scatter.add.f32 [tilespmem:s17], [sflag:$0x2], $0x80, s15, s15, $0xb8;
	[tilespmem:$0x18180] =	vst v63  }
0x4d: {  	_ =	swait.ge [sflag:s14], $0x4000  }
0x4e: {  	[sflag:s14] =	ssyncset.done $0x0  }
0x4f: {  	[sflag:s14] =	ssyncadd.s32 $0xFFFFC000  }
0x50: {  	s4 =	sadd.s32 $0x1, s4  }
0x51: {  	p0 =	sne.s32 s4, s12  }
.Ltmp2:
0x52: {  	[bflag:$0x0] =	sbarrier.arrive $0xFFFF;
	(pc) =	sbr.rel @p0 .LBB2_1-.Ltmp2, $4  }
0x53: {  	[hbm:s11], [sflag:s9] =	dma.local [spmem:s13], $0x2800  }
0x54: {  	_ =	swait.ge [sflag:s14], $0x2800  }
0x55: {  	[sflag:s14] =	ssyncset.done $0x0  }
0x56: {  	[sflag:s14] =	ssyncadd.s32 $0xFFFFD800  }
0x57: {  	_ =	sfence.sel $0x180000  }
0x58: {  	[bflag:$0x0] =	sbarrier.arrive $0xFFFF  }
0x59: {  	p0 =	sne.s32 s1, $0x0;
	_ =	strace $0x9000004A  }
0x5a: {  	s0 =	sadd.s32 @!p0 $0x100000, s0;
	[bflag:$0x2] =	sbarrier.arrive $0xFFFF  }
0x5b: {  	[sflag:s0] =	ssyncadd.tile.s32 @!p0 $0x1;
	_ =	shalt  }
.Lfunc_end2:
_tile_overlayer_lowered:
.L_overlay_start_2:
0x5c: {  	(tag) =	ssettag $0x2  }
0x5d: {  	s0 =	rddreg [dreg:$0x0];
	s2 =	stileid.u32  }
0x5e: {  	s1 =	rddreg [dreg:$0x1];
	p0 =	sne.s32 s2, $0x0  }
0x5f: {  	s3 =	rddreg [dreg:$0x2];
	[bflag:$0x3] =	sbarrier.arrive $0xFFFF;
	s2 =	simm.s32 @!p0 $0x1C02  }
0x60: {  	[timem:s3], [sflag:s2] =	dma.local @!p0 [hbm:s0], s1  }
0x61: {  	s0 =	simm.s32 @!p0 $0x2  }
0x62: {  	_ =	swait.ge @!p0 [sflag:s0], s1  }
0x63: {  	s1 =	ssub.s32 @!p0 $0x0, s1;
	[sflag:s0] =	ssyncset.done @!p0 $0x0  }
0x64: {  	[sflag:s0] =	ssyncadd.s32 @!p0 s1  }
0x65: {  	[bflag:$0x3] =	sbarrier.arrive $0xFFFF  }
0x66: {  	_ =	shalt  }

</sc_bundles>
